<compile_context>
chip_gen: v7x
topology: tpu7x:2x2x1
jax: 0.10.2.dev20260603
libtpu: 0.0.44.dev20260713+nightly
codegen_flags: <defaults>
</compile_context>

<pallas_src>
import functools

import jax
import jax.numpy as jnp
from jax import lax
from jax.experimental import pallas as pl
from jax.experimental.pallas import tpu as pltpu
from jax.experimental.pallas import tpu_sc as plsc

VOCAB = 1000000
EMBED_DIM = 64
BATCH = 4096
HIST = 200
B = BATCH * HIST

_INFO = plsc.get_sparse_core_info()
_NC = _INFO.num_cores
_NS = _INFO.num_subcores
_NW = _NC * _NS
_BPW = B // _NW
_C = 200
_NCHUNK = _BPW // _C
_NBUF = 4
_LA = 2
_NROUND = _NCHUNK // _NBUF

_PAD_BLK = 8000


def _pad_body(t_ref, o_ref):
    x = t_ref[...]
    o_ref[...] = jnp.concatenate([x, x], axis=1)


_pad_table = pl.pallas_call(
    _pad_body,
    grid=(VOCAB // _PAD_BLK,),
    in_specs=[pl.BlockSpec((_PAD_BLK, EMBED_DIM), lambda i: (i, 0))],
    out_specs=pl.BlockSpec((_PAD_BLK, 128), lambda i: (i, 0)),
    out_shape=jax.ShapeDtypeStruct((VOCAB, 128), jnp.float32),
)


@functools.partial(
    pl.kernel,
    mesh=plsc.VectorSubcoreMesh(core_axis_name="c", subcore_axis_name="s"),
    out_type=jax.ShapeDtypeStruct((B, 128), jnp.float32),
    scratch_types=[
        pltpu.VMEM((_BPW,), jnp.int32),
        pltpu.VMEM((_NBUF, _C, 128), jnp.float32),
        [pltpu.SemaphoreType.DMA] * _NBUF,
        [pltpu.SemaphoreType.DMA] * _NBUF,
    ],
    compiler_params=pltpu.CompilerParams(use_tc_tiling_on_sc=False),
)
def _gather_kernel(words_hbm, table_hbm, out_hbm, idx_v, rows_v, gsems, wsems):
    wid = lax.axis_index("s") * _NC + lax.axis_index("c")
    base = wid * _BPW

    pltpu.sync_copy(words_hbm.at[pl.ds(base, _BPW)], idx_v)

    def start_gather(k, b):
        pltpu.make_async_copy(
            table_hbm.at[idx_v.at[pl.ds(k * _C, _C)]], rows_v.at[b], gsems[b]
        ).start()

    def wait_gather(b):
        pltpu.make_async_copy(
            table_hbm.at[idx_v.at[pl.ds(0, _C)]], rows_v.at[b], gsems[b]
        ).wait()

    def start_write(k, b):
        pltpu.make_async_copy(
            rows_v.at[b], out_hbm.at[pl.ds(base + k * _C, _C)], wsems[b]
        ).start()

    def wait_write(b):
        pltpu.make_async_copy(
            rows_v.at[b], out_hbm.at[pl.ds(base, _C)], wsems[b]
        ).wait()

    for k in range(_LA):
        start_gather(k, k % _NBUF)

    for b in range(_NBUF):
        k = b
        wait_gather(b)
        start_write(k, b)
        j = k + _LA
        jb = j % _NBUF
        if j - _NBUF >= 0:
            wait_write(jb)
        start_gather(j, jb)

    def round_body(r, carry):
        k0 = r * _NBUF
        for b in range(_NBUF):
            k = k0 + b
            wait_gather(b)
            start_write(k, b)
            j = k + _LA
            jb = (b + _LA) % _NBUF
            wait_write(jb)
            start_gather(j, jb)
        return carry

    lax.fori_loop(1, _NROUND - 1, round_body, 0)

    k0 = (_NROUND - 1) * _NBUF
    for b in range(_NBUF):
        k = k0 + b
        wait_gather(b)
        start_write(k, b)
        j = k + _LA
        if j < _NCHUNK:
            jb = (b + _LA) % _NBUF
            wait_write(jb)
            start_gather(j, jb)

    for b in range(_NBUF):
        wait_write(b)


def kernel(words, table):
    padtable = _pad_table(table)
    out128 = _gather_kernel(words.reshape(B), padtable)
    return out128[:, :64].reshape(BATCH, HIST, EMBED_DIM)

# --- scband reference (transcript-rebuilt; emitter-appended) ---
"""Pipeline reference for scband-embedding-dropout-6012954214436 (READ-ONLY COPY).

The authoritative reference and input builder live on the scoring server;
editing this copy changes nothing except your own understanding.
"""

import jax, jax.numpy as jnp
import numpy as np

VOCAB = 1000000
EMBED_DIM = 64
BATCH = 4096
HIST = 200


def setup_inputs(seed: int = 0) -> dict:
    key = jax.random.key(seed)
    k1, k2 = jax.random.split(key)
    words = jax.random.randint(k1, (BATCH, HIST), 0, VOCAB, dtype=jnp.int32)
    # learned parameter: embedding table sized per init_kwargs (vocab x embed_dim)
    table = jax.random.normal(k2, (VOCAB, EMBED_DIM), dtype=jnp.float32) * 0.02
    return {"words": words, "table": table}


def reference(words, table):
    # EmbeddingDropout in eval mode (training=False, or embed_p==0 path):
    #   masked_embed = emb.weight  (no row-dropout mask applied)
    #   scale is None -> no rescale
    #   F.embedding(words, masked_embed, pad_idx=-1, max_norm=None, ...)
    # which is a plain row gather from the embedding table.
    return jnp.take(table, words, axis=0)

if __name__ == "__main__":
    import jax
    _d = setup_inputs()
    print(jax.jit(kernel)(*tuple(_d.values())))

</pallas_src>

<mosaic_0001>
#map = affine_map<(d0, d1) -> (0)>
#map1 = affine_map<(d0, d1) -> (0, 0)>
module attributes {stable_mosaic.version = 14 : i64} {
  func.func @_gather_kernel(%arg0: i32, %arg1: i32, %arg2: memref<819200xi32, #tpu.memory_space<hbm>>, %arg3: memref<1000000x128xf32, #tpu.memory_space<hbm>>, %arg4: memref<819200x128xf32, #tpu.memory_space<hbm>>, %arg5: memref<25600xi32, #tpu.memory_space<vmem>>, %arg6: memref<4x200x128xf32, #tpu.memory_space<vmem>>, %arg7: memref<!tpu.dma_semaphore, #tpu.memory_space<semaphore_mem>>, %arg8: memref<!tpu.dma_semaphore, #tpu.memory_space<semaphore_mem>>, %arg9: memref<!tpu.dma_semaphore, #tpu.memory_space<semaphore_mem>>, %arg10: memref<!tpu.dma_semaphore, #tpu.memory_space<semaphore_mem>>, %arg11: memref<!tpu.dma_semaphore, #tpu.memory_space<semaphore_mem>>, %arg12: memref<!tpu.dma_semaphore, #tpu.memory_space<semaphore_mem>>, %arg13: memref<!tpu.dma_semaphore, #tpu.memory_space<semaphore_mem>>, %arg14: memref<!tpu.dma_semaphore, #tpu.memory_space<semaphore_mem>>) attributes {dimension_semantics = [#tpu.dimension_semantics<core_parallel>, #tpu.dimension_semantics<subcore_parallel>], iteration_bounds = array<i64: 2, 16>, scalar_prefetch = 0 : i64, scratch_operands = 10 : i64, tpu.core_type = #tpu.core_type<sc_vector_subcore>, window_params = [{transform_indices = #map}, {transform_indices = #map1}, {transform_indices = #map1}]} {
    %mul3A = arith.constant 2 : i32
    %mul3A_0 = arith.muli %arg1, %mul3A : i32
    %add3A = arith.addi %mul3A_0, %arg0 : i32
    %mul3A_1 = arith.constant 25600 : i32
    %mul3A_2 = arith.muli %add3A, %mul3A_1 : i32
    "tpu.region"() ({
      %run_scoped3A = tpu.sem_alloc : memref<!tpu.dma_semaphore, #tpu.memory_space<semaphore_mem>>
      %dma_start3A_390 = tpu.memref_slice %arg2[%mul3A_2] : memref<819200xi32, #tpu.memory_space<hbm>> -> memref<25600xi32, #tpu.memory_space<hbm>>
      %dma_start3A_391 = tpu.memref_slice %arg2[%mul3A_2] : memref<819200xi32, #tpu.memory_space<hbm>> -> memref<25600xi32, #tpu.memory_space<hbm>>
      tpu.enqueue_dma source(%dma_start3A_391 : memref<25600xi32, #tpu.memory_space<hbm>>) target(%arg5 : memref<25600xi32, #tpu.memory_space<vmem>>) target_semaphore(%run_scoped3A : memref<!tpu.dma_semaphore, #tpu.memory_space<semaphore_mem>>)
      %dma_wait3A_392 = tpu.memref_slice %arg2[%mul3A_2] : memref<819200xi32, #tpu.memory_space<hbm>> -> memref<25600xi32, #tpu.memory_space<hbm>>
      %dma_wait3A_393 = tpu.memref_slice %arg2[%mul3A_2] : memref<819200xi32, #tpu.memory_space<hbm>> -> memref<25600xi32, #tpu.memory_space<hbm>>
      tpu.wait_dma2 semaphore(%run_scoped3A : memref<!tpu.dma_semaphore, #tpu.memory_space<semaphore_mem>>) src(%dma_wait3A_393 : memref<25600xi32, #tpu.memory_space<hbm>>) dst(%arg5 : memref<25600xi32, #tpu.memory_space<vmem>>)
      tpu.yield
    }) : () -> ()
    %dma_start3A = arith.constant 0 : i32
    %dma_start3A_3 = arith.constant 0 : i32
    %dma_start3A_4 = arith.constant 0 : i32
    %dma_start3A_5 = tpu.memref_slice %arg6[%dma_start3A, %dma_start3A_3, %dma_start3A_4] : memref<4x200x128xf32, #tpu.memory_space<vmem>> -> memref<1x200x128xf32, #tpu.memory_space<vmem>>
    %dma_start3A_6 = tpu.memref_squeeze %dma_start3A_5 : memref<1x200x128xf32, #tpu.memory_space<vmem>> -> memref<200x128xf32, #tpu.memory_space<vmem>>
    %dma_start3A_7 = arith.constant 0 : i32
    %dma_start3A_8 = tpu.memref_slice %arg5[%dma_start3A_7] : memref<25600xi32, #tpu.memory_space<vmem>> -> memref<200xi32, #tpu.memory_space<vmem>>
    %dma_start3A_9 = arith.constant 0 : i32
    %dma_start3A_10 = arith.constant 0 : i32
    %dma_start3A_11 = tpu.memref_slice %arg3[%dma_start3A_9, %dma_start3A_10] : memref<1000000x128xf32, #tpu.memory_space<hbm>> -> memref<1000000x128xf32, #tpu.memory_space<hbm>>
    tpu.enqueue_indirect_dma source(%dma_start3A_11 : memref<1000000x128xf32, #tpu.memory_space<hbm>>) target(%dma_start3A_6 : memref<200x128xf32, #tpu.memory_space<vmem>>) offsets(%dma_start3A_8 : memref<200xi32, #tpu.memory_space<vmem>>) semaphore(%arg7 : memref<!tpu.dma_semaphore, #tpu.memory_space<semaphore_mem>>)
    %dma_start3A_12 = arith.constant 1 : i32
    %dma_start3A_13 = arith.constant 0 : i32
    %dma_start3A_14 = arith.constant 0 : i32
    %dma_start3A_15 = tpu.memref_slice %arg6[%dma_start3A_12, %dma_start3A_13, %dma_start3A_14] : memref<4x200x128xf32, #tpu.memory_space<vmem>> -> memref<1x200x128xf32, #tpu.memory_space<vmem>>
    %dma_start3A_16 = tpu.memref_squeeze %dma_start3A_15 : memref<1x200x128xf32, #tpu.memory_space<vmem>> -> memref<200x128xf32, #tpu.memory_space<vmem>>
    %dma_start3A_17 = arith.constant 200 : i32
    %dma_start3A_18 = tpu.memref_slice %arg5[%dma_start3A_17] : memref<25600xi32, #tpu.memory_space<vmem>> -> memref<200xi32, #tpu.memory_space<vmem>>
    %dma_start3A_19 = arith.constant 0 : i32
    %dma_start3A_20 = arith.constant 0 : i32
    %dma_start3A_21 = tpu.memref_slice %arg3[%dma_start3A_19, %dma_start3A_20] : memref<1000000x128xf32, #tpu.memory_space<hbm>> -> memref<1000000x128xf32, #tpu.memory_space<hbm>>
    tpu.enqueue_indirect_dma source(%dma_start3A_21 : memref<1000000x128xf32, #tpu.memory_space<hbm>>) target(%dma_start3A_16 : memref<200x128xf32, #tpu.memory_space<vmem>>) offsets(%dma_start3A_18 : memref<200xi32, #tpu.memory_space<vmem>>) semaphore(%arg8 : memref<!tpu.dma_semaphore, #tpu.memory_space<semaphore_mem>>)
    %dma_wait3A = arith.constant 0 : i32
    %dma_wait3A_22 = arith.constant 0 : i32
    %dma_wait3A_23 = arith.constant 0 : i32
    %dma_wait3A_24 = tpu.memref_slice %arg6[%dma_wait3A, %dma_wait3A_22, %dma_wait3A_23] : memref<4x200x128xf32, #tpu.memory_space<vmem>> -> memref<1x200x128xf32, #tpu.memory_space<vmem>>
    %dma_wait3A_25 = tpu.memref_squeeze %dma_wait3A_24 : memref<1x200x128xf32, #tpu.memory_space<vmem>> -> memref<200x128xf32, #tpu.memory_space<vmem>>
    %dma_wait3A_26 = arith.constant 0 : i32
    %dma_wait3A_27 = tpu.memref_slice %arg5[%dma_wait3A_26] : memref<25600xi32, #tpu.memory_space<vmem>> -> memref<200xi32, #tpu.memory_space<vmem>>
    %dma_wait3A_28 = arith.constant 0 : i32
    %dma_wait3A_29 = arith.constant 0 : i32
    %dma_wait3A_30 = tpu.memref_slice %arg3[%dma_wait3A_28, %dma_wait3A_29] : memref<1000000x128xf32, #tpu.memory_space<hbm>> -> memref<1000000x128xf32, #tpu.memory_space<hbm>>
    tpu.wait_indirect_dma semaphore(%arg7 : memref<!tpu.dma_semaphore, #tpu.memory_space<semaphore_mem>>) src(%dma_wait3A_30 : memref<1000000x128xf32, #tpu.memory_space<hbm>>) dst(%dma_wait3A_25 : memref<200x128xf32, #tpu.memory_space<vmem>>)
    %add3A_31 = arith.constant 0 : i32
    %add3A_32 = arith.addi %mul3A_2, %add3A_31 : i32
    %dma_start3A_33 = arith.constant 0 : i32
    %dma_start3A_34 = arith.constant 0 : i32
    %dma_start3A_35 = arith.constant 0 : i32
    %dma_start3A_36 = tpu.memref_slice %arg6[%dma_start3A_33, %dma_start3A_34, %dma_start3A_35] : memref<4x200x128xf32, #tpu.memory_space<vmem>> -> memref<1x200x128xf32, #tpu.memory_space<vmem>>
    %dma_start3A_37 = tpu.memref_squeeze %dma_start3A_36 : memref<1x200x128xf32, #tpu.memory_space<vmem>> -> memref<200x128xf32, #tpu.memory_space<vmem>>
    %dma_start3A_38 = arith.constant 0 : i32
    %dma_start3A_39 = tpu.memref_slice %arg4[%add3A_32, %dma_start3A_38] : memref<819200x128xf32, #tpu.memory_space<hbm>> -> memref<200x128xf32, #tpu.memory_space<hbm>>
    %dma_start3A_40 = arith.constant 0 : i32
    %dma_start3A_41 = tpu.memref_slice %arg4[%add3A_32, %dma_start3A_40] : memref<819200x128xf32, #tpu.memory_space<hbm>> -> memref<200x128xf32, #tpu.memory_space<hbm>>
    %dma_start3A_42 = arith.constant 0 : i32
    %dma_start3A_43 = arith.constant 0 : i32
    %dma_start3A_44 = tpu.memref_slice %arg6[%dma_start3A_33, %dma_start3A_42, %dma_start3A_43] : memref<4x200x128xf32, #tpu.memory_space<vmem>> -> memref<1x200x128xf32, #tpu.memory_space<vmem>>
    %dma_start3A_45 = tpu.memref_squeeze %dma_start3A_44 : memref<1x200x128xf32, #tpu.memory_space<vmem>> -> memref<200x128xf32, #tpu.memory_space<vmem>>
    tpu.enqueue_dma source(%dma_start3A_45 : memref<200x128xf32, #tpu.memory_space<vmem>>) target(%dma_start3A_41 : memref<200x128xf32, #tpu.memory_space<hbm>>) target_semaphore(%arg11 : memref<!tpu.dma_semaphore, #tpu.memory_space<semaphore_mem>>)
    %dma_start3A_46 = arith.constant 2 : i32
    %dma_start3A_47 = arith.constant 0 : i32
    %dma_start3A_48 = arith.constant 0 : i32
    %dma_start3A_49 = tpu.memref_slice %arg6[%dma_start3A_46, %dma_start3A_47, %dma_start3A_48] : memref<4x200x128xf32, #tpu.memory_space<vmem>> -> memref<1x200x128xf32, #tpu.memory_space<vmem>>
    %dma_start3A_50 = tpu.memref_squeeze %dma_start3A_49 : memref<1x200x128xf32, #tpu.memory_space<vmem>> -> memref<200x128xf32, #tpu.memory_space<vmem>>
    %dma_start3A_51 = arith.constant 400 : i32
    %dma_start3A_52 = tpu.memref_slice %arg5[%dma_start3A_51] : memref<25600xi32, #tpu.memory_space<vmem>> -> memref<200xi32, #tpu.memory_space<vmem>>
    %dma_start3A_53 = arith.constant 0 : i32
    %dma_start3A_54 = arith.constant 0 : i32
    %dma_start3A_55 = tpu.memref_slice %arg3[%dma_start3A_53, %dma_start3A_54] : memref<1000000x128xf32, #tpu.memory_space<hbm>> -> memref<1000000x128xf32, #tpu.memory_space<hbm>>
    tpu.enqueue_indirect_dma source(%dma_start3A_55 : memref<1000000x128xf32, #tpu.memory_space<hbm>>) target(%dma_start3A_50 : memref<200x128xf32, #tpu.memory_space<vmem>>) offsets(%dma_start3A_52 : memref<200xi32, #tpu.memory_space<vmem>>) semaphore(%arg9 : memref<!tpu.dma_semaphore, #tpu.memory_space<semaphore_mem>>)
    %dma_wait3A_56 = arith.constant 1 : i32
    %dma_wait3A_57 = arith.constant 0 : i32
    %dma_wait3A_58 = arith.constant 0 : i32
    %dma_wait3A_59 = tpu.memref_slice %arg6[%dma_wait3A_56, %dma_wait3A_57, %dma_wait3A_58] : memref<4x200x128xf32, #tpu.memory_space<vmem>> -> memref<1x200x128xf32, #tpu.memory_space<vmem>>
    %dma_wait3A_60 = tpu.memref_squeeze %dma_wait3A_59 : memref<1x200x128xf32, #tpu.memory_space<vmem>> -> memref<200x128xf32, #tpu.memory_space<vmem>>
    %dma_wait3A_61 = arith.constant 0 : i32
    %dma_wait3A_62 = tpu.memref_slice %arg5[%dma_wait3A_61] : memref<25600xi32, #tpu.memory_space<vmem>> -> memref<200xi32, #tpu.memory_space<vmem>>
    %dma_wait3A_63 = arith.constant 0 : i32
    %dma_wait3A_64 = arith.constant 0 : i32
    %dma_wait3A_65 = tpu.memref_slice %arg3[%dma_wait3A_63, %dma_wait3A_64] : memref<1000000x128xf32, #tpu.memory_space<hbm>> -> memref<1000000x128xf32, #tpu.memory_space<hbm>>
    tpu.wait_indirect_dma semaphore(%arg8 : memref<!tpu.dma_semaphore, #tpu.memory_space<semaphore_mem>>) src(%dma_wait3A_65 : memref<1000000x128xf32, #tpu.memory_space<hbm>>) dst(%dma_wait3A_60 : memref<200x128xf32, #tpu.memory_space<vmem>>)
    %add3A_66 = arith.constant 200 : i32
    %add3A_67 = arith.addi %mul3A_2, %add3A_66 : i32
    %dma_start3A_68 = arith.constant 1 : i32
    %dma_start3A_69 = arith.constant 0 : i32
    %dma_start3A_70 = arith.constant 0 : i32
    %dma_start3A_71 = tpu.memref_slice %arg6[%dma_start3A_68, %dma_start3A_69, %dma_start3A_70] : memref<4x200x128xf32, #tpu.memory_space<vmem>> -> memref<1x200x128xf32, #tpu.memory_space<vmem>>
    %dma_start3A_72 = tpu.memref_squeeze %dma_start3A_71 : memref<1x200x128xf32, #tpu.memory_space<vmem>> -> memref<200x128xf32, #tpu.memory_space<vmem>>
    %dma_start3A_73 = arith.constant 0 : i32
    %dma_start3A_74 = tpu.memref_slice %arg4[%add3A_67, %dma_start3A_73] : memref<819200x128xf32, #tpu.memory_space<hbm>> -> memref<200x128xf32, #tpu.memory_space<hbm>>
    %dma_start3A_75 = arith.constant 0 : i32
    %dma_start3A_76 = tpu.memref_slice %arg4[%add3A_67, %dma_start3A_75] : memref<819200x128xf32, #tpu.memory_space<hbm>> -> memref<200x128xf32, #tpu.memory_space<hbm>>
    %dma_start3A_77 = arith.constant 0 : i32
    %dma_start3A_78 = arith.constant 0 : i32
    %dma_start3A_79 = tpu.memref_slice %arg6[%dma_start3A_68, %dma_start3A_77, %dma_start3A_78] : memref<4x200x128xf32, #tpu.memory_space<vmem>> -> memref<1x200x128xf32, #tpu.memory_space<vmem>>
    %dma_start3A_80 = tpu.memref_squeeze %dma_start3A_79 : memref<1x200x128xf32, #tpu.memory_space<vmem>> -> memref<200x128xf32, #tpu.memory_space<vmem>>
    tpu.enqueue_dma source(%dma_start3A_80 : memref<200x128xf32, #tpu.memory_space<vmem>>) target(%dma_start3A_76 : memref<200x128xf32, #tpu.memory_space<hbm>>) target_semaphore(%arg12 : memref<!tpu.dma_semaphore, #tpu.memory_space<semaphore_mem>>)
    %dma_start3A_81 = arith.constant 3 : i32
    %dma_start3A_82 = arith.constant 0 : i32
    %dma_start3A_83 = arith.constant 0 : i32
    %dma_start3A_84 = tpu.memref_slice %arg6[%dma_start3A_81, %dma_start3A_82, %dma_start3A_83] : memref<4x200x128xf32, #tpu.memory_space<vmem>> -> memref<1x200x128xf32, #tpu.memory_space<vmem>>
    %dma_start3A_85 = tpu.memref_squeeze %dma_start3A_84 : memref<1x200x128xf32, #tpu.memory_space<vmem>> -> memref<200x128xf32, #tpu.memory_space<vmem>>
    %dma_start3A_86 = arith.constant 600 : i32
    %dma_start3A_87 = tpu.memref_slice %arg5[%dma_start3A_86] : memref<25600xi32, #tpu.memory_space<vmem>> -> memref<200xi32, #tpu.memory_space<vmem>>
    %dma_start3A_88 = arith.constant 0 : i32
    %dma_start3A_89 = arith.constant 0 : i32
    %dma_start3A_90 = tpu.memref_slice %arg3[%dma_start3A_88, %dma_start3A_89] : memref<1000000x128xf32, #tpu.memory_space<hbm>> -> memref<1000000x128xf32, #tpu.memory_space<hbm>>
    tpu.enqueue_indirect_dma source(%dma_start3A_90 : memref<1000000x128xf32, #tpu.memory_space<hbm>>) target(%dma_start3A_85 : memref<200x128xf32, #tpu.memory_space<vmem>>) offsets(%dma_start3A_87 : memref<200xi32, #tpu.memory_space<vmem>>) semaphore(%arg10 : memref<!tpu.dma_semaphore, #tpu.memory_space<semaphore_mem>>)
    %dma_wait3A_91 = arith.constant 2 : i32
    %dma_wait3A_92 = arith.constant 0 : i32
    %dma_wait3A_93 = arith.constant 0 : i32
    %dma_wait3A_94 = tpu.memref_slice %arg6[%dma_wait3A_91, %dma_wait3A_92, %dma_wait3A_93] : memref<4x200x128xf32, #tpu.memory_space<vmem>> -> memref<1x200x128xf32, #tpu.memory_space<vmem>>
    %dma_wait3A_95 = tpu.memref_squeeze %dma_wait3A_94 : memref<1x200x128xf32, #tpu.memory_space<vmem>> -> memref<200x128xf32, #tpu.memory_space<vmem>>
    %dma_wait3A_96 = arith.constant 0 : i32
    %dma_wait3A_97 = tpu.memref_slice %arg5[%dma_wait3A_96] : memref<25600xi32, #tpu.memory_space<vmem>> -> memref<200xi32, #tpu.memory_space<vmem>>
    %dma_wait3A_98 = arith.constant 0 : i32
    %dma_wait3A_99 = arith.constant 0 : i32
    %dma_wait3A_100 = tpu.memref_slice %arg3[%dma_wait3A_98, %dma_wait3A_99] : memref<1000000x128xf32, #tpu.memory_space<hbm>> -> memref<1000000x128xf32, #tpu.memory_space<hbm>>
    tpu.wait_indirect_dma semaphore(%arg9 : memref<!tpu.dma_semaphore, #tpu.memory_space<semaphore_mem>>) src(%dma_wait3A_100 : memref<1000000x128xf32, #tpu.memory_space<hbm>>) dst(%dma_wait3A_95 : memref<200x128xf32, #tpu.memory_space<vmem>>)
    %add3A_101 = arith.constant 400 : i32
    %add3A_102 = arith.addi %mul3A_2, %add3A_101 : i32
    %dma_start3A_103 = arith.constant 2 : i32
    %dma_start3A_104 = arith.constant 0 : i32
    %dma_start3A_105 = arith.constant 0 : i32
    %dma_start3A_106 = tpu.memref_slice %arg6[%dma_start3A_103, %dma_start3A_104, %dma_start3A_105] : memref<4x200x128xf32, #tpu.memory_space<vmem>> -> memref<1x200x128xf32, #tpu.memory_space<vmem>>
    %dma_start3A_107 = tpu.memref_squeeze %dma_start3A_106 : memref<1x200x128xf32, #tpu.memory_space<vmem>> -> memref<200x128xf32, #tpu.memory_space<vmem>>
    %dma_start3A_108 = arith.constant 0 : i32
    %dma_start3A_109 = tpu.memref_slice %arg4[%add3A_102, %dma_start3A_108] : memref<819200x128xf32, #tpu.memory_space<hbm>> -> memref<200x128xf32, #tpu.memory_space<hbm>>
    %dma_start3A_110 = arith.constant 0 : i32
    %dma_start3A_111 = tpu.memref_slice %arg4[%add3A_102, %dma_start3A_110] : memref<819200x128xf32, #tpu.memory_space<hbm>> -> memref<200x128xf32, #tpu.memory_space<hbm>>
    %dma_start3A_112 = arith.constant 0 : i32
    %dma_start3A_113 = arith.constant 0 : i32
    %dma_start3A_114 = tpu.memref_slice %arg6[%dma_start3A_103, %dma_start3A_112, %dma_start3A_113] : memref<4x200x128xf32, #tpu.memory_space<vmem>> -> memref<1x200x128xf32, #tpu.memory_space<vmem>>
    %dma_start3A_115 = tpu.memref_squeeze %dma_start3A_114 : memref<1x200x128xf32, #tpu.memory_space<vmem>> -> memref<200x128xf32, #tpu.memory_space<vmem>>
    tpu.enqueue_dma source(%dma_start3A_115 : memref<200x128xf32, #tpu.memory_space<vmem>>) target(%dma_start3A_111 : memref<200x128xf32, #tpu.memory_space<hbm>>) target_semaphore(%arg13 : memref<!tpu.dma_semaphore, #tpu.memory_space<semaphore_mem>>)
    %dma_wait3A_116 = arith.constant 0 : i32
    %dma_wait3A_117 = arith.constant 0 : i32
    %dma_wait3A_118 = arith.constant 0 : i32
    %dma_wait3A_119 = tpu.memref_slice %arg6[%dma_wait3A_116, %dma_wait3A_117, %dma_wait3A_118] : memref<4x200x128xf32, #tpu.memory_space<vmem>> -> memref<1x200x128xf32, #tpu.memory_space<vmem>>
    %dma_wait3A_120 = tpu.memref_squeeze %dma_wait3A_119 : memref<1x200x128xf32, #tpu.memory_space<vmem>> -> memref<200x128xf32, #tpu.memory_space<vmem>>
    %dma_wait3A_121 = arith.constant 0 : i32
    %dma_wait3A_122 = tpu.memref_slice %arg4[%mul3A_2, %dma_wait3A_121] : memref<819200x128xf32, #tpu.memory_space<hbm>> -> memref<200x128xf32, #tpu.memory_space<hbm>>
    %dma_wait3A_123 = arith.constant 0 : i32
    %dma_wait3A_124 = tpu.memref_slice %arg4[%mul3A_2, %dma_wait3A_123] : memref<819200x128xf32, #tpu.memory_space<hbm>> -> memref<200x128xf32, #tpu.memory_space<hbm>>
    %dma_wait3A_125 = arith.constant 0 : i32
    %dma_wait3A_126 = arith.constant 0 : i32
    %dma_wait3A_127 = tpu.memref_slice %arg6[%dma_wait3A_116, %dma_wait3A_125, %dma_wait3A_126] : memref<4x200x128xf32, #tpu.memory_space<vmem>> -> memref<1x200x128xf32, #tpu.memory_space<vmem>>
    %dma_wait3A_128 = tpu.memref_squeeze %dma_wait3A_127 : memref<1x200x128xf32, #tpu.memory_space<vmem>> -> memref<200x128xf32, #tpu.memory_space<vmem>>
    tpu.wait_dma2 semaphore(%arg11 : memref<!tpu.dma_semaphore, #tpu.memory_space<semaphore_mem>>) src(%dma_wait3A_128 : memref<200x128xf32, #tpu.memory_space<vmem>>) dst(%dma_wait3A_124 : memref<200x128xf32, #tpu.memory_space<hbm>>)
    %dma_start3A_129 = arith.constant 0 : i32
    %dma_start3A_130 = arith.constant 0 : i32
    %dma_start3A_131 = arith.constant 0 : i32
    %dma_start3A_132 = tpu.memref_slice %arg6[%dma_start3A_129, %dma_start3A_130, %dma_start3A_131] : memref<4x200x128xf32, #tpu.memory_space<vmem>> -> memref<1x200x128xf32, #tpu.memory_space<vmem>>
    %dma_start3A_133 = tpu.memref_squeeze %dma_start3A_132 : memref<1x200x128xf32, #tpu.memory_space<vmem>> -> memref<200x128xf32, #tpu.memory_space<vmem>>
    %dma_start3A_134 = arith.constant 800 : i32
    %dma_start3A_135 = tpu.memref_slice %arg5[%dma_start3A_134] : memref<25600xi32, #tpu.memory_space<vmem>> -> memref<200xi32, #tpu.memory_space<vmem>>
    %dma_start3A_136 = arith.constant 0 : i32
    %dma_start3A_137 = arith.constant 0 : i32
    %dma_start3A_138 = tpu.memref_slice %arg3[%dma_start3A_136, %dma_start3A_137] : memref<1000000x128xf32, #tpu.memory_space<hbm>> -> memref<1000000x128xf32, #tpu.memory_space<hbm>>
    tpu.enqueue_indirect_dma source(%dma_start3A_138 : memref<1000000x128xf32, #tpu.memory_space<hbm>>) target(%dma_start3A_133 : memref<200x128xf32, #tpu.memory_space<vmem>>) offsets(%dma_start3A_135 : memref<200xi32, #tpu.memory_space<vmem>>) semaphore(%arg7 : memref<!tpu.dma_semaphore, #tpu.memory_space<semaphore_mem>>)
    %dma_wait3A_139 = arith.constant 3 : i32
    %dma_wait3A_140 = arith.constant 0 : i32
    %dma_wait3A_141 = arith.constant 0 : i32
    %dma_wait3A_142 = tpu.memref_slice %arg6[%dma_wait3A_139, %dma_wait3A_140, %dma_wait3A_141] : memref<4x200x128xf32, #tpu.memory_space<vmem>> -> memref<1x200x128xf32, #tpu.memory_space<vmem>>
    %dma_wait3A_143 = tpu.memref_squeeze %dma_wait3A_142 : memref<1x200x128xf32, #tpu.memory_space<vmem>> -> memref<200x128xf32, #tpu.memory_space<vmem>>
    %dma_wait3A_144 = arith.constant 0 : i32
    %dma_wait3A_145 = tpu.memref_slice %arg5[%dma_wait3A_144] : memref<25600xi32, #tpu.memory_space<vmem>> -> memref<200xi32, #tpu.memory_space<vmem>>
    %dma_wait3A_146 = arith.constant 0 : i32
    %dma_wait3A_147 = arith.constant 0 : i32
    %dma_wait3A_148 = tpu.memref_slice %arg3[%dma_wait3A_146, %dma_wait3A_147] : memref<1000000x128xf32, #tpu.memory_space<hbm>> -> memref<1000000x128xf32, #tpu.memory_space<hbm>>
    tpu.wait_indirect_dma semaphore(%arg10 : memref<!tpu.dma_semaphore, #tpu.memory_space<semaphore_mem>>) src(%dma_wait3A_148 : memref<1000000x128xf32, #tpu.memory_space<hbm>>) dst(%dma_wait3A_143 : memref<200x128xf32, #tpu.memory_space<vmem>>)
    %add3A_149 = arith.constant 600 : i32
    %add3A_150 = arith.addi %mul3A_2, %add3A_149 : i32
    %dma_start3A_151 = arith.constant 3 : i32
    %dma_start3A_152 = arith.constant 0 : i32
    %dma_start3A_153 = arith.constant 0 : i32
    %dma_start3A_154 = tpu.memref_slice %arg6[%dma_start3A_151, %dma_start3A_152, %dma_start3A_153] : memref<4x200x128xf32, #tpu.memory_space<vmem>> -> memref<1x200x128xf32, #tpu.memory_space<vmem>>
    %dma_start3A_155 = tpu.memref_squeeze %dma_start3A_154 : memref<1x200x128xf32, #tpu.memory_space<vmem>> -> memref<200x128xf32, #tpu.memory_space<vmem>>
    %dma_start3A_156 = arith.constant 0 : i32
    %dma_start3A_157 = tpu.memref_slice %arg4[%add3A_150, %dma_start3A_156] : memref<819200x128xf32, #tpu.memory_space<hbm>> -> memref<200x128xf32, #tpu.memory_space<hbm>>
    %dma_start3A_158 = arith.constant 0 : i32
    %dma_start3A_159 = tpu.memref_slice %arg4[%add3A_150, %dma_start3A_158] : memref<819200x128xf32, #tpu.memory_space<hbm>> -> memref<200x128xf32, #tpu.memory_space<hbm>>
    %dma_start3A_160 = arith.constant 0 : i32
    %dma_start3A_161 = arith.constant 0 : i32
    %dma_start3A_162 = tpu.memref_slice %arg6[%dma_start3A_151, %dma_start3A_160, %dma_start3A_161] : memref<4x200x128xf32, #tpu.memory_space<vmem>> -> memref<1x200x128xf32, #tpu.memory_space<vmem>>
    %dma_start3A_163 = tpu.memref_squeeze %dma_start3A_162 : memref<1x200x128xf32, #tpu.memory_space<vmem>> -> memref<200x128xf32, #tpu.memory_space<vmem>>
    tpu.enqueue_dma source(%dma_start3A_163 : memref<200x128xf32, #tpu.memory_space<vmem>>) target(%dma_start3A_159 : memref<200x128xf32, #tpu.memory_space<hbm>>) target_semaphore(%arg14 : memref<!tpu.dma_semaphore, #tpu.memory_space<semaphore_mem>>)
    %dma_wait3A_164 = arith.constant 1 : i32
    %dma_wait3A_165 = arith.constant 0 : i32
    %dma_wait3A_166 = arith.constant 0 : i32
    %dma_wait3A_167 = tpu.memref_slice %arg6[%dma_wait3A_164, %dma_wait3A_165, %dma_wait3A_166] : memref<4x200x128xf32, #tpu.memory_space<vmem>> -> memref<1x200x128xf32, #tpu.memory_space<vmem>>
    %dma_wait3A_168 = tpu.memref_squeeze %dma_wait3A_167 : memref<1x200x128xf32, #tpu.memory_space<vmem>> -> memref<200x128xf32, #tpu.memory_space<vmem>>
    %dma_wait3A_169 = arith.constant 0 : i32
    %dma_wait3A_170 = tpu.memref_slice %arg4[%mul3A_2, %dma_wait3A_169] : memref<819200x128xf32, #tpu.memory_space<hbm>> -> memref<200x128xf32, #tpu.memory_space<hbm>>
    %dma_wait3A_171 = arith.constant 0 : i32
    %dma_wait3A_172 = tpu.memref_slice %arg4[%mul3A_2, %dma_wait3A_171] : memref<819200x128xf32, #tpu.memory_space<hbm>> -> memref<200x128xf32, #tpu.memory_space<hbm>>
    %dma_wait3A_173 = arith.constant 0 : i32
    %dma_wait3A_174 = arith.constant 0 : i32
    %dma_wait3A_175 = tpu.memref_slice %arg6[%dma_wait3A_164, %dma_wait3A_173, %dma_wait3A_174] : memref<4x200x128xf32, #tpu.memory_space<vmem>> -> memref<1x200x128xf32, #tpu.memory_space<vmem>>
    %dma_wait3A_176 = tpu.memref_squeeze %dma_wait3A_175 : memref<1x200x128xf32, #tpu.memory_space<vmem>> -> memref<200x128xf32, #tpu.memory_space<vmem>>
    tpu.wait_dma2 semaphore(%arg12 : memref<!tpu.dma_semaphore, #tpu.memory_space<semaphore_mem>>) src(%dma_wait3A_176 : memref<200x128xf32, #tpu.memory_space<vmem>>) dst(%dma_wait3A_172 : memref<200x128xf32, #tpu.memory_space<hbm>>)
    %dma_start3A_177 = arith.constant 1 : i32
    %dma_start3A_178 = arith.constant 0 : i32
    %dma_start3A_179 = arith.constant 0 : i32
    %dma_start3A_180 = tpu.memref_slice %arg6[%dma_start3A_177, %dma_start3A_178, %dma_start3A_179] : memref<4x200x128xf32, #tpu.memory_space<vmem>> -> memref<1x200x128xf32, #tpu.memory_space<vmem>>
    %dma_start3A_181 = tpu.memref_squeeze %dma_start3A_180 : memref<1x200x128xf32, #tpu.memory_space<vmem>> -> memref<200x128xf32, #tpu.memory_space<vmem>>
    %dma_start3A_182 = arith.constant 1000 : i32
    %dma_start3A_183 = tpu.memref_slice %arg5[%dma_start3A_182] : memref<25600xi32, #tpu.memory_space<vmem>> -> memref<200xi32, #tpu.memory_space<vmem>>
    %dma_start3A_184 = arith.constant 0 : i32
    %dma_start3A_185 = arith.constant 0 : i32
    %dma_start3A_186 = tpu.memref_slice %arg3[%dma_start3A_184, %dma_start3A_185] : memref<1000000x128xf32, #tpu.memory_space<hbm>> -> memref<1000000x128xf32, #tpu.memory_space<hbm>>
    tpu.enqueue_indirect_dma source(%dma_start3A_186 : memref<1000000x128xf32, #tpu.memory_space<hbm>>) target(%dma_start3A_181 : memref<200x128xf32, #tpu.memory_space<vmem>>) offsets(%dma_start3A_183 : memref<200xi32, #tpu.memory_space<vmem>>) semaphore(%arg8 : memref<!tpu.dma_semaphore, #tpu.memory_space<semaphore_mem>>)
    %scan3A = arith.constant 0 : i32
    %scan3A_187 = arith.constant 1 : i32
    %scan3A_188 = arith.constant 30 : i32
    %scan3A_189 = arith.addi %scan3A_187, %scan3A_188 : i32
    %scan3A_190 = arith.constant 1 : i32
    scf.for %scan3A_390 = %scan3A_187 to %scan3A_189 step %scan3A_190  : i32 {
      %mul3A_391 = arith.constant 4 : i32
      %mul3A_392 = arith.muli %scan3A_390, %mul3A_391 : i32
      %add3A_393 = arith.constant 0 : i32
      %add3A_394 = arith.addi %mul3A_392, %add3A_393 : i32
      %dma_wait3A_395 = arith.constant 0 : i32
      %dma_wait3A_396 = arith.constant 0 : i32
      %dma_wait3A_397 = arith.constant 0 : i32
      %dma_wait3A_398 = tpu.memref_slice %arg6[%dma_wait3A_395, %dma_wait3A_396, %dma_wait3A_397] : memref<4x200x128xf32, #tpu.memory_space<vmem>> -> memref<1x200x128xf32, #tpu.memory_space<vmem>>
      %dma_wait3A_399 = tpu.memref_squeeze %dma_wait3A_398 : memref<1x200x128xf32, #tpu.memory_space<vmem>> -> memref<200x128xf32, #tpu.memory_space<vmem>>
      %dma_wait3A_400 = arith.constant 0 : i32
      %dma_wait3A_401 = tpu.memref_slice %arg5[%dma_wait3A_400] : memref<25600xi32, #tpu.memory_space<vmem>> -> memref<200xi32, #tpu.memory_space<vmem>>
      %dma_wait3A_402 = arith.constant 0 : i32
      %dma_wait3A_403 = arith.constant 0 : i32
      %dma_wait3A_404 = tpu.memref_slice %arg3[%dma_wait3A_402, %dma_wait3A_403] : memref<1000000x128xf32, #tpu.memory_space<hbm>> -> memref<1000000x128xf32, #tpu.memory_space<hbm>>
      tpu.wait_indirect_dma semaphore(%arg7 : memref<!tpu.dma_semaphore, #tpu.memory_space<semaphore_mem>>) src(%dma_wait3A_404 : memref<1000000x128xf32, #tpu.memory_space<hbm>>) dst(%dma_wait3A_399 : memref<200x128xf32, #tpu.memory_space<vmem>>)
      %mul3A_405 = arith.constant 200 : i32
      %mul3A_406 = arith.muli %add3A_394, %mul3A_405 : i32
      %add3A_407 = arith.addi %mul3A_2, %mul3A_406 : i32
      %dma_start3A_408 = arith.constant 0 : i32
      %dma_start3A_409 = arith.constant 0 : i32
      %dma_start3A_410 = arith.constant 0 : i32
      %dma_start3A_411 = tpu.memref_slice %arg6[%dma_start3A_408, %dma_start3A_409, %dma_start3A_410] : memref<4x200x128xf32, #tpu.memory_space<vmem>> -> memref<1x200x128xf32, #tpu.memory_space<vmem>>
      %dma_start3A_412 = tpu.memref_squeeze %dma_start3A_411 : memref<1x200x128xf32, #tpu.memory_space<vmem>> -> memref<200x128xf32, #tpu.memory_space<vmem>>
      %dma_start3A_413 = arith.constant 0 : i32
      %dma_start3A_414 = tpu.memref_slice %arg4[%add3A_407, %dma_start3A_413] : memref<819200x128xf32, #tpu.memory_space<hbm>> -> memref<200x128xf32, #tpu.memory_space<hbm>>
      %dma_start3A_415 = arith.constant 0 : i32
      %dma_start3A_416 = tpu.memref_slice %arg4[%add3A_407, %dma_start3A_415] : memref<819200x128xf32, #tpu.memory_space<hbm>> -> memref<200x128xf32, #tpu.memory_space<hbm>>
      %dma_start3A_417 = arith.constant 0 : i32
      %dma_start3A_418 = arith.constant 0 : i32
      %dma_start3A_419 = tpu.memref_slice %arg6[%dma_start3A_408, %dma_start3A_417, %dma_start3A_418] : memref<4x200x128xf32, #tpu.memory_space<vmem>> -> memref<1x200x128xf32, #tpu.memory_space<vmem>>
      %dma_start3A_420 = tpu.memref_squeeze %dma_start3A_419 : memref<1x200x128xf32, #tpu.memory_space<vmem>> -> memref<200x128xf32, #tpu.memory_space<vmem>>
      tpu.enqueue_dma source(%dma_start3A_420 : memref<200x128xf32, #tpu.memory_space<vmem>>) target(%dma_start3A_416 : memref<200x128xf32, #tpu.memory_space<hbm>>) target_semaphore(%arg11 : memref<!tpu.dma_semaphore, #tpu.memory_space<semaphore_mem>>)
      %add3A_421 = arith.constant 2 : i32
      %add3A_422 = arith.addi %add3A_394, %add3A_421 : i32
      %dma_wait3A_423 = arith.constant 2 : i32
      %dma_wait3A_424 = arith.constant 0 : i32
      %dma_wait3A_425 = arith.constant 0 : i32
      %dma_wait3A_426 = tpu.memref_slice %arg6[%dma_wait3A_423, %dma_wait3A_424, %dma_wait3A_425] : memref<4x200x128xf32, #tpu.memory_space<vmem>> -> memref<1x200x128xf32, #tpu.memory_space<vmem>>
      %dma_wait3A_427 = tpu.memref_squeeze %dma_wait3A_426 : memref<1x200x128xf32, #tpu.memory_space<vmem>> -> memref<200x128xf32, #tpu.memory_space<vmem>>
      %dma_wait3A_428 = arith.constant 0 : i32
      %dma_wait3A_429 = tpu.memref_slice %arg4[%mul3A_2, %dma_wait3A_428] : memref<819200x128xf32, #tpu.memory_space<hbm>> -> memref<200x128xf32, #tpu.memory_space<hbm>>
      %dma_wait3A_430 = arith.constant 0 : i32
      %dma_wait3A_431 = tpu.memref_slice %arg4[%mul3A_2, %dma_wait3A_430] : memref<819200x128xf32, #tpu.memory_space<hbm>> -> memref<200x128xf32, #tpu.memory_space<hbm>>
      %dma_wait3A_432 = arith.constant 0 : i32
      %dma_wait3A_433 = arith.constant 0 : i32
      %dma_wait3A_434 = tpu.memref_slice %arg6[%dma_wait3A_423, %dma_wait3A_432, %dma_wait3A_433] : memref<4x200x128xf32, #tpu.memory_space<vmem>> -> memref<1x200x128xf32, #tpu.memory_space<vmem>>
      %dma_wait3A_435 = tpu.memref_squeeze %dma_wait3A_434 : memref<1x200x128xf32, #tpu.memory_space<vmem>> -> memref<200x128xf32, #tpu.memory_space<vmem>>
      tpu.wait_dma2 semaphore(%arg13 : memref<!tpu.dma_semaphore, #tpu.memory_space<semaphore_mem>>) src(%dma_wait3A_435 : memref<200x128xf32, #tpu.memory_space<vmem>>) dst(%dma_wait3A_431 : memref<200x128xf32, #tpu.memory_space<hbm>>)
      %mul3A_436 = arith.constant 200 : i32
      %mul3A_437 = arith.muli %add3A_422, %mul3A_436 : i32
      %dma_start3A_438 = arith.constant 2 : i32
      %dma_start3A_439 = arith.constant 0 : i32
      %dma_start3A_440 = arith.constant 0 : i32
      %dma_start3A_441 = tpu.memref_slice %arg6[%dma_start3A_438, %dma_start3A_439, %dma_start3A_440] : memref<4x200x128xf32, #tpu.memory_space<vmem>> -> memref<1x200x128xf32, #tpu.memory_space<vmem>>
      %dma_start3A_442 = tpu.memref_squeeze %dma_start3A_441 : memref<1x200x128xf32, #tpu.memory_space<vmem>> -> memref<200x128xf32, #tpu.memory_space<vmem>>
      %dma_start3A_443 = tpu.memref_slice %arg5[%mul3A_437] : memref<25600xi32, #tpu.memory_space<vmem>> -> memref<200xi32, #tpu.memory_space<vmem>>
      %dma_start3A_444 = arith.constant 0 : i32
      %dma_start3A_445 = arith.constant 0 : i32
      %dma_start3A_446 = tpu.memref_slice %arg3[%dma_start3A_444, %dma_start3A_445] : memref<1000000x128xf32, #tpu.memory_space<hbm>> -> memref<1000000x128xf32, #tpu.memory_space<hbm>>
      tpu.enqueue_indirect_dma source(%dma_start3A_446 : memref<1000000x128xf32, #tpu.memory_space<hbm>>) target(%dma_start3A_442 : memref<200x128xf32, #tpu.memory_space<vmem>>) offsets(%dma_start3A_443 : memref<200xi32, #tpu.memory_space<vmem>>) semaphore(%arg9 : memref<!tpu.dma_semaphore, #tpu.memory_space<semaphore_mem>>)
      %add3A_447 = arith.constant 1 : i32
      %add3A_448 = arith.addi %mul3A_392, %add3A_447 : i32
      %dma_wait3A_449 = arith.constant 1 : i32
      %dma_wait3A_450 = arith.constant 0 : i32
      %dma_wait3A_451 = arith.constant 0 : i32
      %dma_wait3A_452 = tpu.memref_slice %arg6[%dma_wait3A_449, %dma_wait3A_450, %dma_wait3A_451] : memref<4x200x128xf32, #tpu.memory_space<vmem>> -> memref<1x200x128xf32, #tpu.memory_space<vmem>>
      %dma_wait3A_453 = tpu.memref_squeeze %dma_wait3A_452 : memref<1x200x128xf32, #tpu.memory_space<vmem>> -> memref<200x128xf32, #tpu.memory_space<vmem>>
      %dma_wait3A_454 = arith.constant 0 : i32
      %dma_wait3A_455 = tpu.memref_slice %arg5[%dma_wait3A_454] : memref<25600xi32, #tpu.memory_space<vmem>> -> memref<200xi32, #tpu.memory_space<vmem>>
      %dma_wait3A_456 = arith.constant 0 : i32
      %dma_wait3A_457 = arith.constant 0 : i32
      %dma_wait3A_458 = tpu.memref_slice %arg3[%dma_wait3A_456, %dma_wait3A_457] : memref<1000000x128xf32, #tpu.memory_space<hbm>> -> memref<1000000x128xf32, #tpu.memory_space<hbm>>
      tpu.wait_indirect_dma semaphore(%arg8 : memref<!tpu.dma_semaphore, #tpu.memory_space<semaphore_mem>>) src(%dma_wait3A_458 : memref<1000000x128xf32, #tpu.memory_space<hbm>>) dst(%dma_wait3A_453 : memref<200x128xf32, #tpu.memory_space<vmem>>)
      %mul3A_459 = arith.constant 200 : i32
      %mul3A_460 = arith.muli %add3A_448, %mul3A_459 : i32
      %add3A_461 = arith.addi %mul3A_2, %mul3A_460 : i32
      %dma_start3A_462 = arith.constant 1 : i32
      %dma_start3A_463 = arith.constant 0 : i32
      %dma_start3A_464 = arith.constant 0 : i32
      %dma_start3A_465 = tpu.memref_slice %arg6[%dma_start3A_462, %dma_start3A_463, %dma_start3A_464] : memref<4x200x128xf32, #tpu.memory_space<vmem>> -> memref<1x200x128xf32, #tpu.memory_space<vmem>>
      %dma_start3A_466 = tpu.memref_squeeze %dma_start3A_465 : memref<1x200x128xf32, #tpu.memory_space<vmem>> -> memref<200x128xf32, #tpu.memory_space<vmem>>
      %dma_start3A_467 = arith.constant 0 : i32
      %dma_start3A_468 = tpu.memref_slice %arg4[%add3A_461, %dma_start3A_467] : memref<819200x128xf32, #tpu.memory_space<hbm>> -> memref<200x128xf32, #tpu.memory_space<hbm>>
      %dma_start3A_469 = arith.constant 0 : i32
      %dma_start3A_470 = tpu.memref_slice %arg4[%add3A_461, %dma_start3A_469] : memref<819200x128xf32, #tpu.memory_space<hbm>> -> memref<200x128xf32, #tpu.memory_space<hbm>>
      %dma_start3A_471 = arith.constant 0 : i32
      %dma_start3A_472 = arith.constant 0 : i32
      %dma_start3A_473 = tpu.memref_slice %arg6[%dma_start3A_462, %dma_start3A_471, %dma_start3A_472] : memref<4x200x128xf32, #tpu.memory_space<vmem>> -> memref<1x200x128xf32, #tpu.memory_space<vmem>>
      %dma_start3A_474 = tpu.memref_squeeze %dma_start3A_473 : memref<1x200x128xf32, #tpu.memory_space<vmem>> -> memref<200x128xf32, #tpu.memory_space<vmem>>
      tpu.enqueue_dma source(%dma_start3A_474 : memref<200x128xf32, #tpu.memory_space<vmem>>) target(%dma_start3A_470 : memref<200x128xf32, #tpu.memory_space<hbm>>) target_semaphore(%arg12 : memref<!tpu.dma_semaphore, #tpu.memory_space<semaphore_mem>>)
      %add3A_475 = arith.constant 2 : i32
      %add3A_476 = arith.addi %add3A_448, %add3A_475 : i32
      %dma_wait3A_477 = arith.constant 3 : i32
      %dma_wait3A_478 = arith.constant 0 : i32
      %dma_wait3A_479 = arith.constant 0 : i32
      %dma_wait3A_480 = tpu.memref_slice %arg6[%dma_wait3A_477, %dma_wait3A_478, %dma_wait3A_479] : memref<4x200x128xf32, #tpu.memory_space<vmem>> -> memref<1x200x128xf32, #tpu.memory_space<vmem>>
      %dma_wait3A_481 = tpu.memref_squeeze %dma_wait3A_480 : memref<1x200x128xf32, #tpu.memory_space<vmem>> -> memref<200x128xf32, #tpu.memory_space<vmem>>
      %dma_wait3A_482 = arith.constant 0 : i32
      %dma_wait3A_483 = tpu.memref_slice %arg4[%mul3A_2, %dma_wait3A_482] : memref<819200x128xf32, #tpu.memory_space<hbm>> -> memref<200x128xf32, #tpu.memory_space<hbm>>
      %dma_wait3A_484 = arith.constant 0 : i32
      %dma_wait3A_485 = tpu.memref_slice %arg4[%mul3A_2, %dma_wait3A_484] : memref<819200x128xf32, #tpu.memory_space<hbm>> -> memref<200x128xf32, #tpu.memory_space<hbm>>
      %dma_wait3A_486 = arith.constant 0 : i32
      %dma_wait3A_487 = arith.constant 0 : i32
      %dma_wait3A_488 = tpu.memref_slice %arg6[%dma_wait3A_477, %dma_wait3A_486, %dma_wait3A_487] : memref<4x200x128xf32, #tpu.memory_space<vmem>> -> memref<1x200x128xf32, #tpu.memory_space<vmem>>
      %dma_wait3A_489 = tpu.memref_squeeze %dma_wait3A_488 : memref<1x200x128xf32, #tpu.memory_space<vmem>> -> memref<200x128xf32, #tpu.memory_space<vmem>>
      tpu.wait_dma2 semaphore(%arg14 : memref<!tpu.dma_semaphore, #tpu.memory_space<semaphore_mem>>) src(%dma_wait3A_489 : memref<200x128xf32, #tpu.memory_space<vmem>>) dst(%dma_wait3A_485 : memref<200x128xf32, #tpu.memory_space<hbm>>)
      %mul3A_490 = arith.constant 200 : i32
      %mul3A_491 = arith.muli %add3A_476, %mul3A_490 : i32
      %dma_start3A_492 = arith.constant 3 : i32
      %dma_start3A_493 = arith.constant 0 : i32
      %dma_start3A_494 = arith.constant 0 : i32
      %dma_start3A_495 = tpu.memref_slice %arg6[%dma_start3A_492, %dma_start3A_493, %dma_start3A_494] : memref<4x200x128xf32, #tpu.memory_space<vmem>> -> memref<1x200x128xf32, #tpu.memory_space<vmem>>
      %dma_start3A_496 = tpu.memref_squeeze %dma_start3A_495 : memref<1x200x128xf32, #tpu.memory_space<vmem>> -> memref<200x128xf32, #tpu.memory_space<vmem>>
      %dma_start3A_497 = tpu.memref_slice %arg5[%mul3A_491] : memref<25600xi32, #tpu.memory_space<vmem>> -> memref<200xi32, #tpu.memory_space<vmem>>
      %dma_start3A_498 = arith.constant 0 : i32
      %dma_start3A_499 = arith.constant 0 : i32
      %dma_start3A_500 = tpu.memref_slice %arg3[%dma_start3A_498, %dma_start3A_499] : memref<1000000x128xf32, #tpu.memory_space<hbm>> -> memref<1000000x128xf32, #tpu.memory_space<hbm>>
      tpu.enqueue_indirect_dma source(%dma_start3A_500 : memref<1000000x128xf32, #tpu.memory_space<hbm>>) target(%dma_start3A_496 : memref<200x128xf32, #tpu.memory_space<vmem>>) offsets(%dma_start3A_497 : memref<200xi32, #tpu.memory_space<vmem>>) semaphore(%arg10 : memref<!tpu.dma_semaphore, #tpu.memory_space<semaphore_mem>>)
      %add3A_501 = arith.constant 2 : i32
      %add3A_502 = arith.addi %mul3A_392, %add3A_501 : i32
      %dma_wait3A_503 = arith.constant 2 : i32
      %dma_wait3A_504 = arith.constant 0 : i32
      %dma_wait3A_505 = arith.constant 0 : i32
      %dma_wait3A_506 = tpu.memref_slice %arg6[%dma_wait3A_503, %dma_wait3A_504, %dma_wait3A_505] : memref<4x200x128xf32, #tpu.memory_space<vmem>> -> memref<1x200x128xf32, #tpu.memory_space<vmem>>
      %dma_wait3A_507 = tpu.memref_squeeze %dma_wait3A_506 : memref<1x200x128xf32, #tpu.memory_space<vmem>> -> memref<200x128xf32, #tpu.memory_space<vmem>>
      %dma_wait3A_508 = arith.constant 0 : i32
      %dma_wait3A_509 = tpu.memref_slice %arg5[%dma_wait3A_508] : memref<25600xi32, #tpu.memory_space<vmem>> -> memref<200xi32, #tpu.memory_space<vmem>>
      %dma_wait3A_510 = arith.constant 0 : i32
      %dma_wait3A_511 = arith.constant 0 : i32
      %dma_wait3A_512 = tpu.memref_slice %arg3[%dma_wait3A_510, %dma_wait3A_511] : memref<1000000x128xf32, #tpu.memory_space<hbm>> -> memref<1000000x128xf32, #tpu.memory_space<hbm>>
      tpu.wait_indirect_dma semaphore(%arg9 : memref<!tpu.dma_semaphore, #tpu.memory_space<semaphore_mem>>) src(%dma_wait3A_512 : memref<1000000x128xf32, #tpu.memory_space<hbm>>) dst(%dma_wait3A_507 : memref<200x128xf32, #tpu.memory_space<vmem>>)
      %mul3A_513 = arith.constant 200 : i32
      %mul3A_514 = arith.muli %add3A_502, %mul3A_513 : i32
      %add3A_515 = arith.addi %mul3A_2, %mul3A_514 : i32
      %dma_start3A_516 = arith.constant 2 : i32
      %dma_start3A_517 = arith.constant 0 : i32
      %dma_start3A_518 = arith.constant 0 : i32
      %dma_start3A_519 = tpu.memref_slice %arg6[%dma_start3A_516, %dma_start3A_517, %dma_start3A_518] : memref<4x200x128xf32, #tpu.memory_space<vmem>> -> memref<1x200x128xf32, #tpu.memory_space<vmem>>
      %dma_start3A_520 = tpu.memref_squeeze %dma_start3A_519 : memref<1x200x128xf32, #tpu.memory_space<vmem>> -> memref<200x128xf32, #tpu.memory_space<vmem>>
      %dma_start3A_521 = arith.constant 0 : i32
      %dma_start3A_522 = tpu.memref_slice %arg4[%add3A_515, %dma_start3A_521] : memref<819200x128xf32, #tpu.memory_space<hbm>> -> memref<200x128xf32, #tpu.memory_space<hbm>>
      %dma_start3A_523 = arith.constant 0 : i32
      %dma_start3A_524 = tpu.memref_slice %arg4[%add3A_515, %dma_start3A_523] : memref<819200x128xf32, #tpu.memory_space<hbm>> -> memref<200x128xf32, #tpu.memory_space<hbm>>
      %dma_start3A_525 = arith.constant 0 : i32
      %dma_start3A_526 = arith.constant 0 : i32
      %dma_start3A_527 = tpu.memref_slice %arg6[%dma_start3A_516, %dma_start3A_525, %dma_start3A_526] : memref<4x200x128xf32, #tpu.memory_space<vmem>> -> memref<1x200x128xf32, #tpu.memory_space<vmem>>
      %dma_start3A_528 = tpu.memref_squeeze %dma_start3A_527 : memref<1x200x128xf32, #tpu.memory_space<vmem>> -> memref<200x128xf32, #tpu.memory_space<vmem>>
      tpu.enqueue_dma source(%dma_start3A_528 : memref<200x128xf32, #tpu.memory_space<vmem>>) target(%dma_start3A_524 : memref<200x128xf32, #tpu.memory_space<hbm>>) target_semaphore(%arg13 : memref<!tpu.dma_semaphore, #tpu.memory_space<semaphore_mem>>)
      %add3A_529 = arith.constant 2 : i32
      %add3A_530 = arith.addi %add3A_502, %add3A_529 : i32
      %dma_wait3A_531 = arith.constant 0 : i32
      %dma_wait3A_532 = arith.constant 0 : i32
      %dma_wait3A_533 = arith.constant 0 : i32
      %dma_wait3A_534 = tpu.memref_slice %arg6[%dma_wait3A_531, %dma_wait3A_532, %dma_wait3A_533] : memref<4x200x128xf32, #tpu.memory_space<vmem>> -> memref<1x200x128xf32, #tpu.memory_space<vmem>>
      %dma_wait3A_535 = tpu.memref_squeeze %dma_wait3A_534 : memref<1x200x128xf32, #tpu.memory_space<vmem>> -> memref<200x128xf32, #tpu.memory_space<vmem>>
      %dma_wait3A_536 = arith.constant 0 : i32
      %dma_wait3A_537 = tpu.memref_slice %arg4[%mul3A_2, %dma_wait3A_536] : memref<819200x128xf32, #tpu.memory_space<hbm>> -> memref<200x128xf32, #tpu.memory_space<hbm>>
      %dma_wait3A_538 = arith.constant 0 : i32
      %dma_wait3A_539 = tpu.memref_slice %arg4[%mul3A_2, %dma_wait3A_538] : memref<819200x128xf32, #tpu.memory_space<hbm>> -> memref<200x128xf32, #tpu.memory_space<hbm>>
      %dma_wait3A_540 = arith.constant 0 : i32
      %dma_wait3A_541 = arith.constant 0 : i32
      %dma_wait3A_542 = tpu.memref_slice %arg6[%dma_wait3A_531, %dma_wait3A_540, %dma_wait3A_541] : memref<4x200x128xf32, #tpu.memory_space<vmem>> -> memref<1x200x128xf32, #tpu.memory_space<vmem>>
      %dma_wait3A_543 = tpu.memref_squeeze %dma_wait3A_542 : memref<1x200x128xf32, #tpu.memory_space<vmem>> -> memref<200x128xf32, #tpu.memory_space<vmem>>
      tpu.wait_dma2 semaphore(%arg11 : memref<!tpu.dma_semaphore, #tpu.memory_space<semaphore_mem>>) src(%dma_wait3A_543 : memref<200x128xf32, #tpu.memory_space<vmem>>) dst(%dma_wait3A_539 : memref<200x128xf32, #tpu.memory_space<hbm>>)
      %mul3A_544 = arith.constant 200 : i32
      %mul3A_545 = arith.muli %add3A_530, %mul3A_544 : i32
      %dma_start3A_546 = arith.constant 0 : i32
      %dma_start3A_547 = arith.constant 0 : i32
      %dma_start3A_548 = arith.constant 0 : i32
      %dma_start3A_549 = tpu.memref_slice %arg6[%dma_start3A_546, %dma_start3A_547, %dma_start3A_548] : memref<4x200x128xf32, #tpu.memory_space<vmem>> -> memref<1x200x128xf32, #tpu.memory_space<vmem>>
      %dma_start3A_550 = tpu.memref_squeeze %dma_start3A_549 : memref<1x200x128xf32, #tpu.memory_space<vmem>> -> memref<200x128xf32, #tpu.memory_space<vmem>>
      %dma_start3A_551 = tpu.memref_slice %arg5[%mul3A_545] : memref<25600xi32, #tpu.memory_space<vmem>> -> memref<200xi32, #tpu.memory_space<vmem>>
      %dma_start3A_552 = arith.constant 0 : i32
      %dma_start3A_553 = arith.constant 0 : i32
      %dma_start3A_554 = tpu.memref_slice %arg3[%dma_start3A_552, %dma_start3A_553] : memref<1000000x128xf32, #tpu.memory_space<hbm>> -> memref<1000000x128xf32, #tpu.memory_space<hbm>>
      tpu.enqueue_indirect_dma source(%dma_start3A_554 : memref<1000000x128xf32, #tpu.memory_space<hbm>>) target(%dma_start3A_550 : memref<200x128xf32, #tpu.memory_space<vmem>>) offsets(%dma_start3A_551 : memref<200xi32, #tpu.memory_space<vmem>>) semaphore(%arg7 : memref<!tpu.dma_semaphore, #tpu.memory_space<semaphore_mem>>)
      %add3A_555 = arith.constant 3 : i32
      %add3A_556 = arith.addi %mul3A_392, %add3A_555 : i32
      %dma_wait3A_557 = arith.constant 3 : i32
      %dma_wait3A_558 = arith.constant 0 : i32
      %dma_wait3A_559 = arith.constant 0 : i32
      %dma_wait3A_560 = tpu.memref_slice %arg6[%dma_wait3A_557, %dma_wait3A_558, %dma_wait3A_559] : memref<4x200x128xf32, #tpu.memory_space<vmem>> -> memref<1x200x128xf32, #tpu.memory_space<vmem>>
      %dma_wait3A_561 = tpu.memref_squeeze %dma_wait3A_560 : memref<1x200x128xf32, #tpu.memory_space<vmem>> -> memref<200x128xf32, #tpu.memory_space<vmem>>
      %dma_wait3A_562 = arith.constant 0 : i32
      %dma_wait3A_563 = tpu.memref_slice %arg5[%dma_wait3A_562] : memref<25600xi32, #tpu.memory_space<vmem>> -> memref<200xi32, #tpu.memory_space<vmem>>
      %dma_wait3A_564 = arith.constant 0 : i32
      %dma_wait3A_565 = arith.constant 0 : i32
      %dma_wait3A_566 = tpu.memref_slice %arg3[%dma_wait3A_564, %dma_wait3A_565] : memref<1000000x128xf32, #tpu.memory_space<hbm>> -> memref<1000000x128xf32, #tpu.memory_space<hbm>>
      tpu.wait_indirect_dma semaphore(%arg10 : memref<!tpu.dma_semaphore, #tpu.memory_space<semaphore_mem>>) src(%dma_wait3A_566 : memref<1000000x128xf32, #tpu.memory_space<hbm>>) dst(%dma_wait3A_561 : memref<200x128xf32, #tpu.memory_space<vmem>>)
      %mul3A_567 = arith.constant 200 : i32
      %mul3A_568 = arith.muli %add3A_556, %mul3A_567 : i32
      %add3A_569 = arith.addi %mul3A_2, %mul3A_568 : i32
      %dma_start3A_570 = arith.constant 3 : i32
      %dma_start3A_571 = arith.constant 0 : i32
      %dma_start3A_572 = arith.constant 0 : i32
      %dma_start3A_573 = tpu.memref_slice %arg6[%dma_start3A_570, %dma_start3A_571, %dma_start3A_572] : memref<4x200x128xf32, #tpu.memory_space<vmem>> -> memref<1x200x128xf32, #tpu.memory_space<vmem>>
      %dma_start3A_574 = tpu.memref_squeeze %dma_start3A_573 : memref<1x200x128xf32, #tpu.memory_space<vmem>> -> memref<200x128xf32, #tpu.memory_space<vmem>>
      %dma_start3A_575 = arith.constant 0 : i32
      %dma_start3A_576 = tpu.memref_slice %arg4[%add3A_569, %dma_start3A_575] : memref<819200x128xf32, #tpu.memory_space<hbm>> -> memref<200x128xf32, #tpu.memory_space<hbm>>
      %dma_start3A_577 = arith.constant 0 : i32
      %dma_start3A_578 = tpu.memref_slice %arg4[%add3A_569, %dma_start3A_577] : memref<819200x128xf32, #tpu.memory_space<hbm>> -> memref<200x128xf32, #tpu.memory_space<hbm>>
      %dma_start3A_579 = arith.constant 0 : i32
      %dma_start3A_580 = arith.constant 0 : i32
      %dma_start3A_581 = tpu.memref_slice %arg6[%dma_start3A_570, %dma_start3A_579, %dma_start3A_580] : memref<4x200x128xf32, #tpu.memory_space<vmem>> -> memref<1x200x128xf32, #tpu.memory_space<vmem>>
      %dma_start3A_582 = tpu.memref_squeeze %dma_start3A_581 : memref<1x200x128xf32, #tpu.memory_space<vmem>> -> memref<200x128xf32, #tpu.memory_space<vmem>>
      tpu.enqueue_dma source(%dma_start3A_582 : memref<200x128xf32, #tpu.memory_space<vmem>>) target(%dma_start3A_578 : memref<200x128xf32, #tpu.memory_space<hbm>>) target_semaphore(%arg14 : memref<!tpu.dma_semaphore, #tpu.memory_space<semaphore_mem>>)
      %add3A_583 = arith.constant 2 : i32
      %add3A_584 = arith.addi %add3A_556, %add3A_583 : i32
      %dma_wait3A_585 = arith.constant 1 : i32
      %dma_wait3A_586 = arith.constant 0 : i32
      %dma_wait3A_587 = arith.constant 0 : i32
      %dma_wait3A_588 = tpu.memref_slice %arg6[%dma_wait3A_585, %dma_wait3A_586, %dma_wait3A_587] : memref<4x200x128xf32, #tpu.memory_space<vmem>> -> memref<1x200x128xf32, #tpu.memory_space<vmem>>
      %dma_wait3A_589 = tpu.memref_squeeze %dma_wait3A_588 : memref<1x200x128xf32, #tpu.memory_space<vmem>> -> memref<200x128xf32, #tpu.memory_space<vmem>>
      %dma_wait3A_590 = arith.constant 0 : i32
      %dma_wait3A_591 = tpu.memref_slice %arg4[%mul3A_2, %dma_wait3A_590] : memref<819200x128xf32, #tpu.memory_space<hbm>> -> memref<200x128xf32, #tpu.memory_space<hbm>>
      %dma_wait3A_592 = arith.constant 0 : i32
      %dma_wait3A_593 = tpu.memref_slice %arg4[%mul3A_2, %dma_wait3A_592] : memref<819200x128xf32, #tpu.memory_space<hbm>> -> memref<200x128xf32, #tpu.memory_space<hbm>>
      %dma_wait3A_594 = arith.constant 0 : i32
      %dma_wait3A_595 = arith.constant 0 : i32
      %dma_wait3A_596 = tpu.memref_slice %arg6[%dma_wait3A_585, %dma_wait3A_594, %dma_wait3A_595] : memref<4x200x128xf32, #tpu.memory_space<vmem>> -> memref<1x200x128xf32, #tpu.memory_space<vmem>>
      %dma_wait3A_597 = tpu.memref_squeeze %dma_wait3A_596 : memref<1x200x128xf32, #tpu.memory_space<vmem>> -> memref<200x128xf32, #tpu.memory_space<vmem>>
      tpu.wait_dma2 semaphore(%arg12 : memref<!tpu.dma_semaphore, #tpu.memory_space<semaphore_mem>>) src(%dma_wait3A_597 : memref<200x128xf32, #tpu.memory_space<vmem>>) dst(%dma_wait3A_593 : memref<200x128xf32, #tpu.memory_space<hbm>>)
      %mul3A_598 = arith.constant 200 : i32
      %mul3A_599 = arith.muli %add3A_584, %mul3A_598 : i32
      %dma_start3A_600 = arith.constant 1 : i32
      %dma_start3A_601 = arith.constant 0 : i32
      %dma_start3A_602 = arith.constant 0 : i32
      %dma_start3A_603 = tpu.memref_slice %arg6[%dma_start3A_600, %dma_start3A_601, %dma_start3A_602] : memref<4x200x128xf32, #tpu.memory_space<vmem>> -> memref<1x200x128xf32, #tpu.memory_space<vmem>>
      %dma_start3A_604 = tpu.memref_squeeze %dma_start3A_603 : memref<1x200x128xf32, #tpu.memory_space<vmem>> -> memref<200x128xf32, #tpu.memory_space<vmem>>
      %dma_start3A_605 = tpu.memref_slice %arg5[%mul3A_599] : memref<25600xi32, #tpu.memory_space<vmem>> -> memref<200xi32, #tpu.memory_space<vmem>>
      %dma_start3A_606 = arith.constant 0 : i32
      %dma_start3A_607 = arith.constant 0 : i32
      %dma_start3A_608 = tpu.memref_slice %arg3[%dma_start3A_606, %dma_start3A_607] : memref<1000000x128xf32, #tpu.memory_space<hbm>> -> memref<1000000x128xf32, #tpu.memory_space<hbm>>
      tpu.enqueue_indirect_dma source(%dma_start3A_608 : memref<1000000x128xf32, #tpu.memory_space<hbm>>) target(%dma_start3A_604 : memref<200x128xf32, #tpu.memory_space<vmem>>) offsets(%dma_start3A_605 : memref<200xi32, #tpu.memory_space<vmem>>) semaphore(%arg8 : memref<!tpu.dma_semaphore, #tpu.memory_space<semaphore_mem>>)
    }
    %scan3A_191 = arith.constant 30 : i32
    %dma_wait3A_192 = arith.constant 0 : i32
    %dma_wait3A_193 = arith.constant 0 : i32
    %dma_wait3A_194 = arith.constant 0 : i32
    %dma_wait3A_195 = tpu.memref_slice %arg6[%dma_wait3A_192, %dma_wait3A_193, %dma_wait3A_194] : memref<4x200x128xf32, #tpu.memory_space<vmem>> -> memref<1x200x128xf32, #tpu.memory_space<vmem>>
    %dma_wait3A_196 = tpu.memref_squeeze %dma_wait3A_195 : memref<1x200x128xf32, #tpu.memory_space<vmem>> -> memref<200x128xf32, #tpu.memory_space<vmem>>
    %dma_wait3A_197 = arith.constant 0 : i32
    %dma_wait3A_198 = tpu.memref_slice %arg5[%dma_wait3A_197] : memref<25600xi32, #tpu.memory_space<vmem>> -> memref<200xi32, #tpu.memory_space<vmem>>
    %dma_wait3A_199 = arith.constant 0 : i32
    %dma_wait3A_200 = arith.constant 0 : i32
    %dma_wait3A_201 = tpu.memref_slice %arg3[%dma_wait3A_199, %dma_wait3A_200] : memref<1000000x128xf32, #tpu.memory_space<hbm>> -> memref<1000000x128xf32, #tpu.memory_space<hbm>>
    tpu.wait_indirect_dma semaphore(%arg7 : memref<!tpu.dma_semaphore, #tpu.memory_space<semaphore_mem>>) src(%dma_wait3A_201 : memref<1000000x128xf32, #tpu.memory_space<hbm>>) dst(%dma_wait3A_196 : memref<200x128xf32, #tpu.memory_space<vmem>>)
    %add3A_202 = arith.constant 24800 : i32
    %add3A_203 = arith.addi %mul3A_2, %add3A_202 : i32
    %dma_start3A_204 = arith.constant 0 : i32
    %dma_start3A_205 = arith.constant 0 : i32
    %dma_start3A_206 = arith.constant 0 : i32
    %dma_start3A_207 = tpu.memref_slice %arg6[%dma_start3A_204, %dma_start3A_205, %dma_start3A_206] : memref<4x200x128xf32, #tpu.memory_space<vmem>> -> memref<1x200x128xf32, #tpu.memory_space<vmem>>
    %dma_start3A_208 = tpu.memref_squeeze %dma_start3A_207 : memref<1x200x128xf32, #tpu.memory_space<vmem>> -> memref<200x128xf32, #tpu.memory_space<vmem>>
    %dma_start3A_209 = arith.constant 0 : i32
    %dma_start3A_210 = tpu.memref_slice %arg4[%add3A_203, %dma_start3A_209] : memref<819200x128xf32, #tpu.memory_space<hbm>> -> memref<200x128xf32, #tpu.memory_space<hbm>>
    %dma_start3A_211 = arith.constant 0 : i32
    %dma_start3A_212 = tpu.memref_slice %arg4[%add3A_203, %dma_start3A_211] : memref<819200x128xf32, #tpu.memory_space<hbm>> -> memref<200x128xf32, #tpu.memory_space<hbm>>
    %dma_start3A_213 = arith.constant 0 : i32
    %dma_start3A_214 = arith.constant 0 : i32
    %dma_start3A_215 = tpu.memref_slice %arg6[%dma_start3A_204, %dma_start3A_213, %dma_start3A_214] : memref<4x200x128xf32, #tpu.memory_space<vmem>> -> memref<1x200x128xf32, #tpu.memory_space<vmem>>
    %dma_start3A_216 = tpu.memref_squeeze %dma_start3A_215 : memref<1x200x128xf32, #tpu.memory_space<vmem>> -> memref<200x128xf32, #tpu.memory_space<vmem>>
    tpu.enqueue_dma source(%dma_start3A_216 : memref<200x128xf32, #tpu.memory_space<vmem>>) target(%dma_start3A_212 : memref<200x128xf32, #tpu.memory_space<hbm>>) target_semaphore(%arg11 : memref<!tpu.dma_semaphore, #tpu.memory_space<semaphore_mem>>)
    %dma_wait3A_217 = arith.constant 2 : i32
    %dma_wait3A_218 = arith.constant 0 : i32
    %dma_wait3A_219 = arith.constant 0 : i32
    %dma_wait3A_220 = tpu.memref_slice %arg6[%dma_wait3A_217, %dma_wait3A_218, %dma_wait3A_219] : memref<4x200x128xf32, #tpu.memory_space<vmem>> -> memref<1x200x128xf32, #tpu.memory_space<vmem>>
    %dma_wait3A_221 = tpu.memref_squeeze %dma_wait3A_220 : memref<1x200x128xf32, #tpu.memory_space<vmem>> -> memref<200x128xf32, #tpu.memory_space<vmem>>
    %dma_wait3A_222 = arith.constant 0 : i32
    %dma_wait3A_223 = tpu.memref_slice %arg4[%mul3A_2, %dma_wait3A_222] : memref<819200x128xf32, #tpu.memory_space<hbm>> -> memref<200x128xf32, #tpu.memory_space<hbm>>
    %dma_wait3A_224 = arith.constant 0 : i32
    %dma_wait3A_225 = tpu.memref_slice %arg4[%mul3A_2, %dma_wait3A_224] : memref<819200x128xf32, #tpu.memory_space<hbm>> -> memref<200x128xf32, #tpu.memory_space<hbm>>
    %dma_wait3A_226 = arith.constant 0 : i32
    %dma_wait3A_227 = arith.constant 0 : i32
    %dma_wait3A_228 = tpu.memref_slice %arg6[%dma_wait3A_217, %dma_wait3A_226, %dma_wait3A_227] : memref<4x200x128xf32, #tpu.memory_space<vmem>> -> memref<1x200x128xf32, #tpu.memory_space<vmem>>
    %dma_wait3A_229 = tpu.memref_squeeze %dma_wait3A_228 : memref<1x200x128xf32, #tpu.memory_space<vmem>> -> memref<200x128xf32, #tpu.memory_space<vmem>>
    tpu.wait_dma2 semaphore(%arg13 : memref<!tpu.dma_semaphore, #tpu.memory_space<semaphore_mem>>) src(%dma_wait3A_229 : memref<200x128xf32, #tpu.memory_space<vmem>>) dst(%dma_wait3A_225 : memref<200x128xf32, #tpu.memory_space<hbm>>)
    %dma_start3A_230 = arith.constant 2 : i32
    %dma_start3A_231 = arith.constant 0 : i32
    %dma_start3A_232 = arith.constant 0 : i32
    %dma_start3A_233 = tpu.memref_slice %arg6[%dma_start3A_230, %dma_start3A_231, %dma_start3A_232] : memref<4x200x128xf32, #tpu.memory_space<vmem>> -> memref<1x200x128xf32, #tpu.memory_space<vmem>>
    %dma_start3A_234 = tpu.memref_squeeze %dma_start3A_233 : memref<1x200x128xf32, #tpu.memory_space<vmem>> -> memref<200x128xf32, #tpu.memory_space<vmem>>
    %dma_start3A_235 = arith.constant 25200 : i32
    %dma_start3A_236 = tpu.memref_slice %arg5[%dma_start3A_235] : memref<25600xi32, #tpu.memory_space<vmem>> -> memref<200xi32, #tpu.memory_space<vmem>>
    %dma_start3A_237 = arith.constant 0 : i32
    %dma_start3A_238 = arith.constant 0 : i32
    %dma_start3A_239 = tpu.memref_slice %arg3[%dma_start3A_237, %dma_start3A_238] : memref<1000000x128xf32, #tpu.memory_space<hbm>> -> memref<1000000x128xf32, #tpu.memory_space<hbm>>
    tpu.enqueue_indirect_dma source(%dma_start3A_239 : memref<1000000x128xf32, #tpu.memory_space<hbm>>) target(%dma_start3A_234 : memref<200x128xf32, #tpu.memory_space<vmem>>) offsets(%dma_start3A_236 : memref<200xi32, #tpu.memory_space<vmem>>) semaphore(%arg9 : memref<!tpu.dma_semaphore, #tpu.memory_space<semaphore_mem>>)
    %dma_wait3A_240 = arith.constant 1 : i32
    %dma_wait3A_241 = arith.constant 0 : i32
    %dma_wait3A_242 = arith.constant 0 : i32
    %dma_wait3A_243 = tpu.memref_slice %arg6[%dma_wait3A_240, %dma_wait3A_241, %dma_wait3A_242] : memref<4x200x128xf32, #tpu.memory_space<vmem>> -> memref<1x200x128xf32, #tpu.memory_space<vmem>>
    %dma_wait3A_244 = tpu.memref_squeeze %dma_wait3A_243 : memref<1x200x128xf32, #tpu.memory_space<vmem>> -> memref<200x128xf32, #tpu.memory_space<vmem>>
    %dma_wait3A_245 = arith.constant 0 : i32
    %dma_wait3A_246 = tpu.memref_slice %arg5[%dma_wait3A_245] : memref<25600xi32, #tpu.memory_space<vmem>> -> memref<200xi32, #tpu.memory_space<vmem>>
    %dma_wait3A_247 = arith.constant 0 : i32
    %dma_wait3A_248 = arith.constant 0 : i32
    %dma_wait3A_249 = tpu.memref_slice %arg3[%dma_wait3A_247, %dma_wait3A_248] : memref<1000000x128xf32, #tpu.memory_space<hbm>> -> memref<1000000x128xf32, #tpu.memory_space<hbm>>
    tpu.wait_indirect_dma semaphore(%arg8 : memref<!tpu.dma_semaphore, #tpu.memory_space<semaphore_mem>>) src(%dma_wait3A_249 : memref<1000000x128xf32, #tpu.memory_space<hbm>>) dst(%dma_wait3A_244 : memref<200x128xf32, #tpu.memory_space<vmem>>)
    %add3A_250 = arith.constant 25000 : i32
    %add3A_251 = arith.addi %mul3A_2, %add3A_250 : i32
    %dma_start3A_252 = arith.constant 1 : i32
    %dma_start3A_253 = arith.constant 0 : i32
    %dma_start3A_254 = arith.constant 0 : i32
    %dma_start3A_255 = tpu.memref_slice %arg6[%dma_start3A_252, %dma_start3A_253, %dma_start3A_254] : memref<4x200x128xf32, #tpu.memory_space<vmem>> -> memref<1x200x128xf32, #tpu.memory_space<vmem>>
    %dma_start3A_256 = tpu.memref_squeeze %dma_start3A_255 : memref<1x200x128xf32, #tpu.memory_space<vmem>> -> memref<200x128xf32, #tpu.memory_space<vmem>>
    %dma_start3A_257 = arith.constant 0 : i32
    %dma_start3A_258 = tpu.memref_slice %arg4[%add3A_251, %dma_start3A_257] : memref<819200x128xf32, #tpu.memory_space<hbm>> -> memref<200x128xf32, #tpu.memory_space<hbm>>
    %dma_start3A_259 = arith.constant 0 : i32
    %dma_start3A_260 = tpu.memref_slice %arg4[%add3A_251, %dma_start3A_259] : memref<819200x128xf32, #tpu.memory_space<hbm>> -> memref<200x128xf32, #tpu.memory_space<hbm>>
    %dma_start3A_261 = arith.constant 0 : i32
    %dma_start3A_262 = arith.constant 0 : i32
    %dma_start3A_263 = tpu.memref_slice %arg6[%dma_start3A_252, %dma_start3A_261, %dma_start3A_262] : memref<4x200x128xf32, #tpu.memory_space<vmem>> -> memref<1x200x128xf32, #tpu.memory_space<vmem>>
    %dma_start3A_264 = tpu.memref_squeeze %dma_start3A_263 : memref<1x200x128xf32, #tpu.memory_space<vmem>> -> memref<200x128xf32, #tpu.memory_space<vmem>>
    tpu.enqueue_dma source(%dma_start3A_264 : memref<200x128xf32, #tpu.memory_space<vmem>>) target(%dma_start3A_260 : memref<200x128xf32, #tpu.memory_space<hbm>>) target_semaphore(%arg12 : memref<!tpu.dma_semaphore, #tpu.memory_space<semaphore_mem>>)
    %dma_wait3A_265 = arith.constant 3 : i32
    %dma_wait3A_266 = arith.constant 0 : i32
    %dma_wait3A_267 = arith.constant 0 : i32
    %dma_wait3A_268 = tpu.memref_slice %arg6[%dma_wait3A_265, %dma_wait3A_266, %dma_wait3A_267] : memref<4x200x128xf32, #tpu.memory_space<vmem>> -> memref<1x200x128xf32, #tpu.memory_space<vmem>>
    %dma_wait3A_269 = tpu.memref_squeeze %dma_wait3A_268 : memref<1x200x128xf32, #tpu.memory_space<vmem>> -> memref<200x128xf32, #tpu.memory_space<vmem>>
    %dma_wait3A_270 = arith.constant 0 : i32
    %dma_wait3A_271 = tpu.memref_slice %arg4[%mul3A_2, %dma_wait3A_270] : memref<819200x128xf32, #tpu.memory_space<hbm>> -> memref<200x128xf32, #tpu.memory_space<hbm>>
    %dma_wait3A_272 = arith.constant 0 : i32
    %dma_wait3A_273 = tpu.memref_slice %arg4[%mul3A_2, %dma_wait3A_272] : memref<819200x128xf32, #tpu.memory_space<hbm>> -> memref<200x128xf32, #tpu.memory_space<hbm>>
    %dma_wait3A_274 = arith.constant 0 : i32
    %dma_wait3A_275 = arith.constant 0 : i32
    %dma_wait3A_276 = tpu.memref_slice %arg6[%dma_wait3A_265, %dma_wait3A_274, %dma_wait3A_275] : memref<4x200x128xf32, #tpu.memory_space<vmem>> -> memref<1x200x128xf32, #tpu.memory_space<vmem>>
    %dma_wait3A_277 = tpu.memref_squeeze %dma_wait3A_276 : memref<1x200x128xf32, #tpu.memory_space<vmem>> -> memref<200x128xf32, #tpu.memory_space<vmem>>
    tpu.wait_dma2 semaphore(%arg14 : memref<!tpu.dma_semaphore, #tpu.memory_space<semaphore_mem>>) src(%dma_wait3A_277 : memref<200x128xf32, #tpu.memory_space<vmem>>) dst(%dma_wait3A_273 : memref<200x128xf32, #tpu.memory_space<hbm>>)
    %dma_start3A_278 = arith.constant 3 : i32
    %dma_start3A_279 = arith.constant 0 : i32
    %dma_start3A_280 = arith.constant 0 : i32
    %dma_start3A_281 = tpu.memref_slice %arg6[%dma_start3A_278, %dma_start3A_279, %dma_start3A_280] : memref<4x200x128xf32, #tpu.memory_space<vmem>> -> memref<1x200x128xf32, #tpu.memory_space<vmem>>
    %dma_start3A_282 = tpu.memref_squeeze %dma_start3A_281 : memref<1x200x128xf32, #tpu.memory_space<vmem>> -> memref<200x128xf32, #tpu.memory_space<vmem>>
    %dma_start3A_283 = arith.constant 25400 : i32
    %dma_start3A_284 = tpu.memref_slice %arg5[%dma_start3A_283] : memref<25600xi32, #tpu.memory_space<vmem>> -> memref<200xi32, #tpu.memory_space<vmem>>
    %dma_start3A_285 = arith.constant 0 : i32
    %dma_start3A_286 = arith.constant 0 : i32
    %dma_start3A_287 = tpu.memref_slice %arg3[%dma_start3A_285, %dma_start3A_286] : memref<1000000x128xf32, #tpu.memory_space<hbm>> -> memref<1000000x128xf32, #tpu.memory_space<hbm>>
    tpu.enqueue_indirect_dma source(%dma_start3A_287 : memref<1000000x128xf32, #tpu.memory_space<hbm>>) target(%dma_start3A_282 : memref<200x128xf32, #tpu.memory_space<vmem>>) offsets(%dma_start3A_284 : memref<200xi32, #tpu.memory_space<vmem>>) semaphore(%arg10 : memref<!tpu.dma_semaphore, #tpu.memory_space<semaphore_mem>>)
    %dma_wait3A_288 = arith.constant 2 : i32
    %dma_wait3A_289 = arith.constant 0 : i32
    %dma_wait3A_290 = arith.constant 0 : i32
    %dma_wait3A_291 = tpu.memref_slice %arg6[%dma_wait3A_288, %dma_wait3A_289, %dma_wait3A_290] : memref<4x200x128xf32, #tpu.memory_space<vmem>> -> memref<1x200x128xf32, #tpu.memory_space<vmem>>
    %dma_wait3A_292 = tpu.memref_squeeze %dma_wait3A_291 : memref<1x200x128xf32, #tpu.memory_space<vmem>> -> memref<200x128xf32, #tpu.memory_space<vmem>>
    %dma_wait3A_293 = arith.constant 0 : i32
    %dma_wait3A_294 = tpu.memref_slice %arg5[%dma_wait3A_293] : memref<25600xi32, #tpu.memory_space<vmem>> -> memref<200xi32, #tpu.memory_space<vmem>>
    %dma_wait3A_295 = arith.constant 0 : i32
    %dma_wait3A_296 = arith.constant 0 : i32
    %dma_wait3A_297 = tpu.memref_slice %arg3[%dma_wait3A_295, %dma_wait3A_296] : memref<1000000x128xf32, #tpu.memory_space<hbm>> -> memref<1000000x128xf32, #tpu.memory_space<hbm>>
    tpu.wait_indirect_dma semaphore(%arg9 : memref<!tpu.dma_semaphore, #tpu.memory_space<semaphore_mem>>) src(%dma_wait3A_297 : memref<1000000x128xf32, #tpu.memory_space<hbm>>) dst(%dma_wait3A_292 : memref<200x128xf32, #tpu.memory_space<vmem>>)
    %add3A_298 = arith.constant 25200 : i32
    %add3A_299 = arith.addi %mul3A_2, %add3A_298 : i32
    %dma_start3A_300 = arith.constant 2 : i32
    %dma_start3A_301 = arith.constant 0 : i32
    %dma_start3A_302 = arith.constant 0 : i32
    %dma_start3A_303 = tpu.memref_slice %arg6[%dma_start3A_300, %dma_start3A_301, %dma_start3A_302] : memref<4x200x128xf32, #tpu.memory_space<vmem>> -> memref<1x200x128xf32, #tpu.memory_space<vmem>>
    %dma_start3A_304 = tpu.memref_squeeze %dma_start3A_303 : memref<1x200x128xf32, #tpu.memory_space<vmem>> -> memref<200x128xf32, #tpu.memory_space<vmem>>
    %dma_start3A_305 = arith.constant 0 : i32
    %dma_start3A_306 = tpu.memref_slice %arg4[%add3A_299, %dma_start3A_305] : memref<819200x128xf32, #tpu.memory_space<hbm>> -> memref<200x128xf32, #tpu.memory_space<hbm>>
    %dma_start3A_307 = arith.constant 0 : i32
    %dma_start3A_308 = tpu.memref_slice %arg4[%add3A_299, %dma_start3A_307] : memref<819200x128xf32, #tpu.memory_space<hbm>> -> memref<200x128xf32, #tpu.memory_space<hbm>>
    %dma_start3A_309 = arith.constant 0 : i32
    %dma_start3A_310 = arith.constant 0 : i32
    %dma_start3A_311 = tpu.memref_slice %arg6[%dma_start3A_300, %dma_start3A_309, %dma_start3A_310] : memref<4x200x128xf32, #tpu.memory_space<vmem>> -> memref<1x200x128xf32, #tpu.memory_space<vmem>>
    %dma_start3A_312 = tpu.memref_squeeze %dma_start3A_311 : memref<1x200x128xf32, #tpu.memory_space<vmem>> -> memref<200x128xf32, #tpu.memory_space<vmem>>
    tpu.enqueue_dma source(%dma_start3A_312 : memref<200x128xf32, #tpu.memory_space<vmem>>) target(%dma_start3A_308 : memref<200x128xf32, #tpu.memory_space<hbm>>) target_semaphore(%arg13 : memref<!tpu.dma_semaphore, #tpu.memory_space<semaphore_mem>>)
    %dma_wait3A_313 = arith.constant 3 : i32
    %dma_wait3A_314 = arith.constant 0 : i32
    %dma_wait3A_315 = arith.constant 0 : i32
    %dma_wait3A_316 = tpu.memref_slice %arg6[%dma_wait3A_313, %dma_wait3A_314, %dma_wait3A_315] : memref<4x200x128xf32, #tpu.memory_space<vmem>> -> memref<1x200x128xf32, #tpu.memory_space<vmem>>
    %dma_wait3A_317 = tpu.memref_squeeze %dma_wait3A_316 : memref<1x200x128xf32, #tpu.memory_space<vmem>> -> memref<200x128xf32, #tpu.memory_space<vmem>>
    %dma_wait3A_318 = arith.constant 0 : i32
    %dma_wait3A_319 = tpu.memref_slice %arg5[%dma_wait3A_318] : memref<25600xi32, #tpu.memory_space<vmem>> -> memref<200xi32, #tpu.memory_space<vmem>>
    %dma_wait3A_320 = arith.constant 0 : i32
    %dma_wait3A_321 = arith.constant 0 : i32
    %dma_wait3A_322 = tpu.memref_slice %arg3[%dma_wait3A_320, %dma_wait3A_321] : memref<1000000x128xf32, #tpu.memory_space<hbm>> -> memref<1000000x128xf32, #tpu.memory_space<hbm>>
    tpu.wait_indirect_dma semaphore(%arg10 : memref<!tpu.dma_semaphore, #tpu.memory_space<semaphore_mem>>) src(%dma_wait3A_322 : memref<1000000x128xf32, #tpu.memory_space<hbm>>) dst(%dma_wait3A_317 : memref<200x128xf32, #tpu.memory_space<vmem>>)
    %add3A_323 = arith.constant 25400 : i32
    %add3A_324 = arith.addi %mul3A_2, %add3A_323 : i32
    %dma_start3A_325 = arith.constant 3 : i32
    %dma_start3A_326 = arith.constant 0 : i32
    %dma_start3A_327 = arith.constant 0 : i32
    %dma_start3A_328 = tpu.memref_slice %arg6[%dma_start3A_325, %dma_start3A_326, %dma_start3A_327] : memref<4x200x128xf32, #tpu.memory_space<vmem>> -> memref<1x200x128xf32, #tpu.memory_space<vmem>>
    %dma_start3A_329 = tpu.memref_squeeze %dma_start3A_328 : memref<1x200x128xf32, #tpu.memory_space<vmem>> -> memref<200x128xf32, #tpu.memory_space<vmem>>
    %dma_start3A_330 = arith.constant 0 : i32
    %dma_start3A_331 = tpu.memref_slice %arg4[%add3A_324, %dma_start3A_330] : memref<819200x128xf32, #tpu.memory_space<hbm>> -> memref<200x128xf32, #tpu.memory_space<hbm>>
    %dma_start3A_332 = arith.constant 0 : i32
    %dma_start3A_333 = tpu.memref_slice %arg4[%add3A_324, %dma_start3A_332] : memref<819200x128xf32, #tpu.memory_space<hbm>> -> memref<200x128xf32, #tpu.memory_space<hbm>>
    %dma_start3A_334 = arith.constant 0 : i32
    %dma_start3A_335 = arith.constant 0 : i32
    %dma_start3A_336 = tpu.memref_slice %arg6[%dma_start3A_325, %dma_start3A_334, %dma_start3A_335] : memref<4x200x128xf32, #tpu.memory_space<vmem>> -> memref<1x200x128xf32, #tpu.memory_space<vmem>>
    %dma_start3A_337 = tpu.memref_squeeze %dma_start3A_336 : memref<1x200x128xf32, #tpu.memory_space<vmem>> -> memref<200x128xf32, #tpu.memory_space<vmem>>
    tpu.enqueue_dma source(%dma_start3A_337 : memref<200x128xf32, #tpu.memory_space<vmem>>) target(%dma_start3A_333 : memref<200x128xf32, #tpu.memory_space<hbm>>) target_semaphore(%arg14 : memref<!tpu.dma_semaphore, #tpu.memory_space<semaphore_mem>>)
    %dma_wait3A_338 = arith.constant 0 : i32
    %dma_wait3A_339 = arith.constant 0 : i32
    %dma_wait3A_340 = arith.constant 0 : i32
    %dma_wait3A_341 = tpu.memref_slice %arg6[%dma_wait3A_338, %dma_wait3A_339, %dma_wait3A_340] : memref<4x200x128xf32, #tpu.memory_space<vmem>> -> memref<1x200x128xf32, #tpu.memory_space<vmem>>
    %dma_wait3A_342 = tpu.memref_squeeze %dma_wait3A_341 : memref<1x200x128xf32, #tpu.memory_space<vmem>> -> memref<200x128xf32, #tpu.memory_space<vmem>>
    %dma_wait3A_343 = arith.constant 0 : i32
    %dma_wait3A_344 = tpu.memref_slice %arg4[%mul3A_2, %dma_wait3A_343] : memref<819200x128xf32, #tpu.memory_space<hbm>> -> memref<200x128xf32, #tpu.memory_space<hbm>>
    %dma_wait3A_345 = arith.constant 0 : i32
    %dma_wait3A_346 = tpu.memref_slice %arg4[%mul3A_2, %dma_wait3A_345] : memref<819200x128xf32, #tpu.memory_space<hbm>> -> memref<200x128xf32, #tpu.memory_space<hbm>>
    %dma_wait3A_347 = arith.constant 0 : i32
    %dma_wait3A_348 = arith.constant 0 : i32
    %dma_wait3A_349 = tpu.memref_slice %arg6[%dma_wait3A_338, %dma_wait3A_347, %dma_wait3A_348] : memref<4x200x128xf32, #tpu.memory_space<vmem>> -> memref<1x200x128xf32, #tpu.memory_space<vmem>>
    %dma_wait3A_350 = tpu.memref_squeeze %dma_wait3A_349 : memref<1x200x128xf32, #tpu.memory_space<vmem>> -> memref<200x128xf32, #tpu.memory_space<vmem>>
    tpu.wait_dma2 semaphore(%arg11 : memref<!tpu.dma_semaphore, #tpu.memory_space<semaphore_mem>>) src(%dma_wait3A_350 : memref<200x128xf32, #tpu.memory_space<vmem>>) dst(%dma_wait3A_346 : memref<200x128xf32, #tpu.memory_space<hbm>>)
    %dma_wait3A_351 = arith.constant 1 : i32
    %dma_wait3A_352 = arith.constant 0 : i32
    %dma_wait3A_353 = arith.constant 0 : i32
    %dma_wait3A_354 = tpu.memref_slice %arg6[%dma_wait3A_351, %dma_wait3A_352, %dma_wait3A_353] : memref<4x200x128xf32, #tpu.memory_space<vmem>> -> memref<1x200x128xf32, #tpu.memory_space<vmem>>
    %dma_wait3A_355 = tpu.memref_squeeze %dma_wait3A_354 : memref<1x200x128xf32, #tpu.memory_space<vmem>> -> memref<200x128xf32, #tpu.memory_space<vmem>>
    %dma_wait3A_356 = arith.constant 0 : i32
    %dma_wait3A_357 = tpu.memref_slice %arg4[%mul3A_2, %dma_wait3A_356] : memref<819200x128xf32, #tpu.memory_space<hbm>> -> memref<200x128xf32, #tpu.memory_space<hbm>>
    %dma_wait3A_358 = arith.constant 0 : i32
    %dma_wait3A_359 = tpu.memref_slice %arg4[%mul3A_2, %dma_wait3A_358] : memref<819200x128xf32, #tpu.memory_space<hbm>> -> memref<200x128xf32, #tpu.memory_space<hbm>>
    %dma_wait3A_360 = arith.constant 0 : i32
    %dma_wait3A_361 = arith.constant 0 : i32
    %dma_wait3A_362 = tpu.memref_slice %arg6[%dma_wait3A_351, %dma_wait3A_360, %dma_wait3A_361] : memref<4x200x128xf32, #tpu.memory_space<vmem>> -> memref<1x200x128xf32, #tpu.memory_space<vmem>>
    %dma_wait3A_363 = tpu.memref_squeeze %dma_wait3A_362 : memref<1x200x128xf32, #tpu.memory_space<vmem>> -> memref<200x128xf32, #tpu.memory_space<vmem>>
    tpu.wait_dma2 semaphore(%arg12 : memref<!tpu.dma_semaphore, #tpu.memory_space<semaphore_mem>>) src(%dma_wait3A_363 : memref<200x128xf32, #tpu.memory_space<vmem>>) dst(%dma_wait3A_359 : memref<200x128xf32, #tpu.memory_space<hbm>>)
    %dma_wait3A_364 = arith.constant 2 : i32
    %dma_wait3A_365 = arith.constant 0 : i32
    %dma_wait3A_366 = arith.constant 0 : i32
    %dma_wait3A_367 = tpu.memref_slice %arg6[%dma_wait3A_364, %dma_wait3A_365, %dma_wait3A_366] : memref<4x200x128xf32, #tpu.memory_space<vmem>> -> memref<1x200x128xf32, #tpu.memory_space<vmem>>
    %dma_wait3A_368 = tpu.memref_squeeze %dma_wait3A_367 : memref<1x200x128xf32, #tpu.memory_space<vmem>> -> memref<200x128xf32, #tpu.memory_space<vmem>>
    %dma_wait3A_369 = arith.constant 0 : i32
    %dma_wait3A_370 = tpu.memref_slice %arg4[%mul3A_2, %dma_wait3A_369] : memref<819200x128xf32, #tpu.memory_space<hbm>> -> memref<200x128xf32, #tpu.memory_space<hbm>>
    %dma_wait3A_371 = arith.constant 0 : i32
    %dma_wait3A_372 = tpu.memref_slice %arg4[%mul3A_2, %dma_wait3A_371] : memref<819200x128xf32, #tpu.memory_space<hbm>> -> memref<200x128xf32, #tpu.memory_space<hbm>>
    %dma_wait3A_373 = arith.constant 0 : i32
    %dma_wait3A_374 = arith.constant 0 : i32
    %dma_wait3A_375 = tpu.memref_slice %arg6[%dma_wait3A_364, %dma_wait3A_373, %dma_wait3A_374] : memref<4x200x128xf32, #tpu.memory_space<vmem>> -> memref<1x200x128xf32, #tpu.memory_space<vmem>>
    %dma_wait3A_376 = tpu.memref_squeeze %dma_wait3A_375 : memref<1x200x128xf32, #tpu.memory_space<vmem>> -> memref<200x128xf32, #tpu.memory_space<vmem>>
    tpu.wait_dma2 semaphore(%arg13 : memref<!tpu.dma_semaphore, #tpu.memory_space<semaphore_mem>>) src(%dma_wait3A_376 : memref<200x128xf32, #tpu.memory_space<vmem>>) dst(%dma_wait3A_372 : memref<200x128xf32, #tpu.memory_space<hbm>>)
    %dma_wait3A_377 = arith.constant 3 : i32
    %dma_wait3A_378 = arith.constant 0 : i32
    %dma_wait3A_379 = arith.constant 0 : i32
    %dma_wait3A_380 = tpu.memref_slice %arg6[%dma_wait3A_377, %dma_wait3A_378, %dma_wait3A_379] : memref<4x200x128xf32, #tpu.memory_space<vmem>> -> memref<1x200x128xf32, #tpu.memory_space<vmem>>
    %dma_wait3A_381 = tpu.memref_squeeze %dma_wait3A_380 : memref<1x200x128xf32, #tpu.memory_space<vmem>> -> memref<200x128xf32, #tpu.memory_space<vmem>>
    %dma_wait3A_382 = arith.constant 0 : i32
    %dma_wait3A_383 = tpu.memref_slice %arg4[%mul3A_2, %dma_wait3A_382] : memref<819200x128xf32, #tpu.memory_space<hbm>> -> memref<200x128xf32, #tpu.memory_space<hbm>>
    %dma_wait3A_384 = arith.constant 0 : i32
    %dma_wait3A_385 = tpu.memref_slice %arg4[%mul3A_2, %dma_wait3A_384] : memref<819200x128xf32, #tpu.memory_space<hbm>> -> memref<200x128xf32, #tpu.memory_space<hbm>>
    %dma_wait3A_386 = arith.constant 0 : i32
    %dma_wait3A_387 = arith.constant 0 : i32
    %dma_wait3A_388 = tpu.memref_slice %arg6[%dma_wait3A_377, %dma_wait3A_386, %dma_wait3A_387] : memref<4x200x128xf32, #tpu.memory_space<vmem>> -> memref<1x200x128xf32, #tpu.memory_space<vmem>>
    %dma_wait3A_389 = tpu.memref_squeeze %dma_wait3A_388 : memref<1x200x128xf32, #tpu.memory_space<vmem>> -> memref<200x128xf32, #tpu.memory_space<vmem>>
    tpu.wait_dma2 semaphore(%arg14 : memref<!tpu.dma_semaphore, #tpu.memory_space<semaphore_mem>>) src(%dma_wait3A_389 : memref<200x128xf32, #tpu.memory_space<vmem>>) dst(%dma_wait3A_385 : memref<200x128xf32, #tpu.memory_space<hbm>>)
    return
  }
}

module attributes {stable_mosaic.version = 14 : i64} {
  func.func @_pad_body(%arg0: i32, %arg1: memref<8000x64xf32, #tpu.memory_space<vmem>>, %arg2: memref<8000x128xf32, #tpu.memory_space<vmem>>) attributes {dimension_semantics = [#tpu.dimension_semantics<arbitrary>], iteration_bounds = array<i64: 125>, scalar_prefetch = 0 : i64, scratch_operands = 0 : i64, tpu.core_type = #tpu.core_type<tc>, window_params = [{transform_indices = @transform_0, window_bounds = array<i64: 8000, 64>}, {transform_indices = @transform_1, window_bounds = array<i64: 8000, 128>}]} {
    %get3A = arith.constant 0 : index
    %get3A_0 = arith.constant 0 : index
    %get3A_1 = vector.load %arg1[%get3A, %get3A_0] : memref<8000x64xf32, #tpu.memory_space<vmem>>, vector<8000x64xf32>
    %concatenate3A = tpu.concatenate %get3A_1, %get3A_1 in 1 : vector<8000x64xf32>, vector<8000x64xf32> -> vector<8000x128xf32>
    %swap3A = arith.constant 0 : index
    %swap3A_2 = arith.constant 0 : index
    %swap3A_3 = vector.load %arg2[%swap3A, %swap3A_2] : memref<8000x128xf32, #tpu.memory_space<vmem>>, vector<8000x128xf32>
    tpu.vector_store %arg2[%swap3A, %swap3A_2], %concatenate3A {strides = array<i32>} : memref<8000x128xf32, #tpu.memory_space<vmem>>, vector<8000x128xf32>,
    return
  }
  func.func @transform_0(%arg0: i32) -> (i32, i32) {
    %c0_i32 = arith.constant 0 : i32
    %c0_i32_0 = arith.constant 0 : i32
    return %arg0, %c0_i32 : i32, i32
  }
  func.func @transform_1(%arg0: i32) -> (i32, i32) {
    %c0_i32 = arith.constant 0 : i32
    %c0_i32_0 = arith.constant 0 : i32
    return %arg0, %c0_i32 : i32, i32
  }
}

</mosaic_0001>

<sc_bundles>
// kernel: kernel.4.cloned.1.call-start
scs
__scs_entry_jumppad:
0x0: {  	(pc) =	sbr.rel $0x88, $3  }
0x1: {  	(tag) =	ssettag $0x0;
	lr =	simm.s32 $0x1  }
0x2: {  	[smem:$0x3F9F] =	sst lr;
	_ =	strace $0xD0000000  }
0x3: {  	_ = 	snop  }
0x4: {  	_ = 	snop  }
0x5: {  	_ = 	snop  }
0x6: {  	_ = 	snop  }
0x7: {  	_ = 	snop  }
__scs_overlays_trampoline_lowered:
0x8: {  	[smem:$0x3FAE] =	sst s0  }
0x9: {  	[smem:$0x3FAF] =	sst s1  }
0xa: {  	[smem:$0x3FB0] =	sst s2  }
0xb: {  	[smem:$0x3FB1] =	sst s3  }
0xc: {  	[smem:$0x3FB2] =	sst s4  }
0xd: {  	[smem:$0x3FB3] =	sst s5  }
0xe: {  	[smem:$0x3FB4] =	sst s6  }
0xf: {  	[smem:$0x3FB5] =	sst s7  }
0x10: {  	[smem:$0x3FB6] =	sst s8  }
0x11: {  	[smem:$0x3FB7] =	sst s9;
	s0 =	simm.s32 @!p0 $0x0  }
0x12: {  	s1 =	sld [smem:$0x3F9D];
	s0 =	simm.s32 @p0 $0x1  }
0x13: {  	[smem:$0x3FB8] =	sst s0;
	s0 =	simm.s32 @!p1 $0x0  }
0x14: {  	s2 =	sld [smem:$0x3F9C];
	s0 =	simm.s32 @p1 $0x1  }
0x15: {  	[smem:$0x3FB9] =	sst s0;
	s0 =	simm.s32 @!p2 $0x0  }
0x16: {  	s3 =	sld [smem:$0x3FDB];
	s0 =	simm.s32 @p2 $0x1  }
0x17: {  	s4 =	simm.s32 $0x1BF5;
	[smem:$0x3FBB] =	sst s0  }
0x18: {  	s0 =	sld [smem:$0x3F9E];
	_ =	swait.ge [sflag:s4], $0x0  }
0x19: {  	s7 =	sld [smem:$0x3F9F]  }
0x1a: {  	s8 =	sadd.s32 $0xFFFFE003, lr  }
0x1b: {  	s9 =	sadd.s32 $0xFFFFFEF7, lr;
	s5 =	simm.s32 $0xFFFFFFFF;
	p2 =	slt.u32 s8, $0xFFFFF086  }
0x1c: {  	p1 =	slt.u32 s9, $0xF7A;
	s5 =	simm.s32 @!p2 $0x0  }
0x1d: {  	s5 =	simm.s32 @p1 $0x1;
	p0 =	seq.s32 s7, s2  }
0x1e: {  	s7 =	smul.u32 @!p0 $0xF7A, s2;
	p2 =	seq.s32 @!p0 s5, $0x0  }
0x1f: {  	s9 =	smul.u32 $0xF7A, s1;
	s8 =	simm.s32 @!p0 $0x1BF5;
	p2 =	por !p2, p0  }
0x20: {  	[sflag:s8] =	ssyncset.s32 @!p0 $0xFFFFF086;
	s6 =	sadd.s32 @!p0 s3, s7;
	s7 =	simm.s32 @!p0 $0x108  }
0x21: {  	s3 =	sadd.s32 s3, s9;
	s6 =	sadd.s32 @!p0 $0x88, s6;
	s7 =	simm.s32 @p2 $0x1082  }
0x22: {  	[simem:s7], [sflag:s8] =	dma.local @!p0 [hbm:s6], $0xF7A  }
0x23: {  	s9 =	sor.u32 $0xD0000000, s2;
	s6 =	simm.s32 $0x108;
	_ =	swait.ge @!p0 [sflag:s8], $0x0  }
0x24: {  	s3 =	sadd.s32 $0x88, s3;
	s6 =	simm.s32 @!p1 $0x1082;
	[sflag:s4] =	ssyncset.s32 $0xFFFFF086  }
0x25: {  	[simem:s6], [sflag:s4] =	dma.local [hbm:s3], $0xF7A  }
0x26: {  	[smem:$0x3F9F] =	sst s1;
	(tag) =	ssettag s2;
	_ =	strace s9  }
0x27: {  	s1 =	sld [smem:$0x3FAF]  }
0x28: {  	s2 =	sld [smem:$0x3FB0]  }
0x29: {  	s4 =	sld [smem:$0x3FB2]  }
0x2a: {  	p0 =	seq.s32 s5, $0x0;
	s5 =	sld [smem:$0x3FB3]  }
0x2b: {  	s6 =	sld [smem:$0x3FB4]  }
0x2c: {  	s7 =	sld [smem:$0x3FB5]  }
0x2d: {  	s3 =	simm.s32 $0x108;
	s8 =	sld [smem:$0x3FB6]  }
0x2e: {  	s3 =	simm.s32 @!p0 $0x1082;
	s9 =	sld [smem:$0x3FB7]  }
0x2f: {  	lr =	sadd.s32 s0, s3;
	s0 =	sld [smem:$0x3FAE]  }
0x30: {  	s3 =	sld [smem:$0x3FB1]  }
0x31: {  	[smem:$0x3FBA] =	sst s10  }
0x32: {  	s10 =	sld [smem:$0x3FB8];
	_ =	sdelay $0x3  }
0x33: {  	p0 =	seq.s32 s10, $0x1;
	s10 =	sld [smem:$0x3FBA];
	_ =	sdelay $0x3  }
0x34: {  	[smem:$0x3FBA] =	sst s10  }
0x35: {  	s10 =	sld [smem:$0x3FB9];
	_ =	sdelay $0x3  }
0x36: {  	p1 =	seq.s32 s10, $0x1;
	s10 =	sld [smem:$0x3FBA];
	_ =	sdelay $0x3  }
0x37: {  	[smem:$0x3FBA] =	sst s10  }
0x38: {  	s10 =	sld [smem:$0x3FBB]  }
0x39: {  	_ = 	snop;
	(pc) =	sbr.ind lr, $3  }
0x3a: {  	_ = 	snop  }
0x3b: {  	_ = 	snop  }
0x3c: {  	p2 =	seq.s32 s10, $0x1;
	s10 =	sld [smem:$0x3FBA]  }
0x3d: {  	_ =	shalt  }
0x3e: {  	_ =	shalt  }
0x3f: {  	_ =	shalt  }
0x40: {  	_ =	shalt  }
0x41: {  	_ =	shalt  }
0x42: {  	_ =	shalt  }
0x43: {  	_ =	shalt  }
0x44: {  	_ =	shalt  }
0x45: {  	_ =	shalt  }
0x46: {  	_ =	shalt  }
0x47: {  	_ =	shalt  }
0x48: {  	_ =	shalt  }
0x49: {  	_ =	shalt  }
0x4a: {  	_ =	shalt  }
0x4b: {  	_ =	shalt  }
0x4c: {  	_ =	shalt  }
0x4d: {  	_ =	shalt  }
0x4e: {  	_ =	shalt  }
0x4f: {  	_ =	shalt  }
0x50: {  	_ =	shalt  }
0x51: {  	_ =	shalt  }
0x52: {  	_ =	shalt  }
0x53: {  	_ =	shalt  }
0x54: {  	_ =	shalt  }
0x55: {  	_ =	shalt  }
0x56: {  	_ =	shalt  }
0x57: {  	_ =	shalt  }
0x58: {  	_ =	shalt  }
0x59: {  	_ =	shalt  }
0x5a: {  	_ =	shalt  }
0x5b: {  	_ =	shalt  }
0x5c: {  	_ =	shalt  }
0x5d: {  	_ =	shalt  }
0x5e: {  	_ =	shalt  }
0x5f: {  	_ =	shalt  }
0x60: {  	_ =	shalt  }
0x61: {  	_ =	shalt  }
0x62: {  	_ =	shalt  }
0x63: {  	_ =	shalt  }
0x64: {  	_ =	shalt  }
0x65: {  	_ =	shalt  }
0x66: {  	_ =	shalt  }
0x67: {  	_ =	shalt  }
0x68: {  	_ =	shalt  }
0x69: {  	_ =	shalt  }
0x6a: {  	_ =	shalt  }
0x6b: {  	_ =	shalt  }
0x6c: {  	_ =	shalt  }
0x6d: {  	_ =	shalt  }
0x6e: {  	_ =	shalt  }
0x6f: {  	_ =	shalt  }
0x70: {  	_ =	shalt  }
0x71: {  	_ =	shalt  }
0x72: {  	_ =	shalt  }
0x73: {  	_ =	shalt  }
0x74: {  	_ =	shalt  }
0x75: {  	_ =	shalt  }
0x76: {  	_ =	shalt  }
0x77: {  	_ =	shalt  }
0x78: {  	_ =	shalt  }
0x79: {  	_ =	shalt  }
0x7a: {  	_ =	shalt  }
0x7b: {  	_ =	shalt  }
0x7c: {  	_ =	shalt  }
0x7d: {  	_ =	shalt  }
0x7e: {  	_ =	shalt  }
0x7f: {  	_ =	shalt  }
0x80: {  	_ =	shalt  }
0x81: {  	_ =	shalt  }
0x82: {  	_ =	shalt  }
0x83: {  	_ =	shalt  }
0x84: {  	_ =	shalt  }
0x85: {  	_ =	shalt  }
0x86: {  	_ =	shalt  }
0x87: {  	_ =	shalt  }
.Lfunc_end0:
.L_simem_size_0:
called_computation.1_lowered:
.L_overlay_start_0:
0x88: {  	s2 =	sld [smem:$0x3FD9]  }
0x89: {  	s3 =	sld [smem:$0x3FFE];
	_ =	sdelay $0x1  }
0x8a: {  	s1 =	srdreg.scid  }
0x8b: {  	s0 =	sand.u32 $0x1, s1  }
0x8c: {  	s17 =	sshll.u32 s0, $0xA;
	s2 =	sadd.s32 s3, s2  }
0x8d: {  	s2 =	sadd.s32 s2, s17  }
0x8e: {  	[smem:$0x3FC6] =	sst s2  }
0x8f: {  	_ = 	snop  }
0x90: {  	s2 =	sld [smem:$0x3FD0];
	(tm) =	ssettm $0x1  }
0x91: {  	s18 =	sld [smem:$0x3FFB];
	_ =	sdelay $0x3  }
0x92: {  	_ =	strace s18  }
0x93: {  	s3 =	sld [smem:$0x3FFC];
	_ =	sdelay $0x3  }
0x94: {  	_ =	strace s3  }
0x95: {  	s3 =	sld [smem:$0x3FFD];
	_ =	sdelay $0x3  }
0x96: {  	_ =	strace s3  }
0x97: {  	_ =	strace $0x8FFFFFFF  }
0x98: {  	s19 =	sld [smem:$0x3FDB];
	_ =	sdelay $0x1  }
0x99: {  	s4 =	simm.s32 $_scs_section_size  }
0x9a: {  	s5 =	simm.s32 $_size__tile_overlayer_lowered;
	s6 =	simm.s32 $_tile_overlayer_lowered  }
0x9b: {  	s22 =	simm.s32 $0x1BFF;
	s21 =	sshll.u32 s6, $0x1;
	s3 =	sadd.s32 s4, s19  }
0x9c: {  	s7 =	simm.s32 $0x0;
	s20 =	sshll.u32 s5, $0x1;
	s5 =	sadd.s32 s21, s3  }
0x9d: {  	[timem:s7], [sflag:s22] =	dma.local [hbm:s5], s20  }
0x9e: {  	_ =	swait.ge [sflag:s22], s20  }
0x9f: {  	s4 =	ssub.s32 $0x0, s20;
	[sflag:s22] =	ssyncset.done $0x0  }
0xa0: {  	[sflag:s22] =	ssyncadd.s32 s4;
	_ =	sdelay $0x1  }
0xa1: {  	s23 =	simm.s32 $0x1B8B  }
0xa2: {  	_ =	swait.ge [sflag:s23], $0x1  }
0xa3: {  	[sflag:s23] =	ssyncset.done $0x0  }
0xa4: {  	s25 =	simm.s32 $0x1B8E;
	s24 =	sld [smem:$0x3FFE];
	[sflag:s23] =	ssyncadd.s32 $0xFFFFFFFF  }
0xa5: {  	s26 =	simm.s32 $execute0_lowered;
	[smem:$0x3FD2] =	sst s25  }
0xa6: {  	s5 =	sshll.u32 s26, $0x1;
	_ =	strace $0x80000046;
	[dreg:$0x1] =	wrdreg $0xFFFFFFFF  }
0xa7: {  	s28 =	simm.s32 $_size_execute0_lowered;
	s3 =	sadd.s32 s3, s5;
	[dreg:$0x0] =	wrdreg $0x0  }
0xa8: {  	s5 =	sshll.u32 s28, $0x1;
	[dreg:$0x2] =	wrdreg s3  }
0xa9: {  	[dreg:$0x3] =	wrdreg s5  }
0xaa: {  	[dreg:$0x4] =	wrdreg $0xC0  }
0xab: {  	_ =	task [dreg:s7], $0x5FFFF  }
0xac: {  	[dreg:$0x1] =	wrdreg $0xFFFFFFFF  }
0xad: {  	[dreg:$0x0] =	wrdreg $0x60  }
0xae: {  	[dreg:$0x2] =	wrdreg s2  }
0xaf: {  	[dreg:$0x3] =	wrdreg s24  }
0xb0: {  	[dreg:$0x4] =	wrdreg $0x9  }
0xb1: {  	_ =	task.clear_ibuf [dreg:s7], $0x5FFFF;
	_ =	strace $0x90000046  }
0xb2: {  	s29 =	simm.s32 $0x9;
	_ =	strace $0x80000048  }
0xb3: {  	_ =	swait.ge [sflag:s29], $0x1  }
0xb4: {  	[sflag:s29] =	ssyncadd.s32 $0xFFFFFFFF  }
0xb5: {  	_ =	strace $0x90000048  }
0xb6: {  	_ =	sfence  }
0xb7: {  	s30 =	sld [smem:$0x0];
	_ =	sdelay $0x2  }
0xb8: {  	s31 =	sshll.u32 s1, $0xD;
	s1 =	sshrl.u32 s1, $0x2  }
0xb9: {  	s3 =	sand.u32 $0x4000, s31;
	s1 =	sadd.s32 s1, s30  }
0xba: {  	s0 =	sor.u32 s3, s0;
	s1 =	sshll.u32 s1, $0x11  }
0xbb: {  	s0 =	sor.u32 s1, s0  }
0xbc: {  	s0 =	sadd.s32 $0x8F2B, s0  }
0xbd: {  	[sflag:s0] =	ssyncadd.remote.s32 $0x1  }
0xbe: {  	_ =	sfence.sel $0xFFFF  }
0xbf: {  	[dreg:$0x0] =	wrdreg $0xFFFFFFFF;
	(pc) =	sbr.abs _section_cstart, $3  }
0xc0: {  	[dreg:$0x1] =	wrdreg $0xFFFFFFFF  }
0xc1: {  	_ =	task.clear_ibuf [dreg:s7], $0x2FFFF;
	_ =	strace $0x9FFFFFFF  }
0xc2: {  	(tm) =	ssettm $0x7FFFFFFF  }
0xc3: {  	_ =	shalt  }
tec
execute0_lowered:
.L_overlay_start_1:
0x0: {  	(tag) =	ssettag $0x1  }
0x1: {  	s0 =	rddreg [dreg:$0x0];
	s1 =	srdreg.scid  }
0x2: {  	s11 =	stileid.u32;
	s4 =	rddreg [dreg:$0x1];
	s2 =	simm.s32 $0x0  }
0x3: {  	s18 =	simm.s32 $0x9;
	s28 =	simm.s32 $0x19000;
	s29 =	simm.s32 $0x3  }
0x4: {  	s30 =	simm.s32 $0x5;
	s31 =	simm.s32 $0x8;
	s1 =	sand.u32 $0x1, s1  }
0x5: {  	s3 =	sshll.u32 s11, $0x1;
	[smem:$0x7FF] =	sst s2;
	s19 =	smul.u32 $0xC800, s11  }
0x6: {  	s5 =	sor.u32 s1, s3;
	s7 =	ssub.s32 $0x2, s1;
	s1 =	smul.u32 $0x6400, s1  }
0x7: {  	s10 =	sadd.s32 $0xA00, s4;
	_ =	strace $0x80000047;
	s6 =	smul.u32 $0x6400, s5  }
0x8: {  	s3 =	sadd.s32 $0xF42E00, s4;
	s8 =	smul.u32 $0x64000, s5;
	s9 =	sshrl.u32 s7, $0x1  }
0x9: {  	s5 =	smul.u32 $0x320000, s5;
	s7 =	ssub.s32 s7, s9;
	s1 =	sadd.s32 s1, s19  }
0xa: {  	s19 =	simm.s32 $0xC8;
	s6 =	sshrl.u32 s6, $0x3;
	s4 =	sadd.s32 s10, s8  }
0xb: {  	s21 =	sshrl.u32 s5, $0x3;
	s1 =	sshll.u32 s1, $0x4;
	s0 =	sadd.s32 s0, s6  }
0xc: {  	s13 =	smax.u32 s7, $0x1;
	s20 =	sadd.s32 $0xC80, s4;
	[dreg:$0x3] =	wrdreg s0  }
0xd: {  	s22 =	sadd.s32 $0x1900, s4;
	s23 =	sadd.s32 $0x2580, s4;
	[dreg:$0x4] =	wrdreg s20  }
0xe: {  	s1 =	sadd.s32 s1, s10;
	[dreg:$0x5] =	wrdreg s22;
	s0 =	sadd.s32 s10, s21  }
0xf: {  	[dreg:$0x6] =	wrdreg s23;
	s14 =	sadd.s32 $0x3E80, s1;
	s15 =	sadd.s32 $0x5780, s1  }
0x10: {  	s16 =	sadd.s32 $0x4B00, s1;
	s17 =	sadd.s32 $0x3200, s1;
	s20 =	simm.s32 $0x6400  }
0x11: {  	s21 =	simm.s32 $0xC800;
	s22 =	simm.s32 $0x1;
	s24 =	sadd.s32 $0x60E00, s0  }
0x12: {  	s1 =	simm.s32 $0x4;
	s25 =	sadd.s32 $0x61A80, s0;
	[dreg:$0x7] =	wrdreg s24  }
0x13: {  	s23 =	simm.s32 $0x0;
	s26 =	sadd.s32 $0x62700, s0;
	[dreg:$0x8] =	wrdreg s25  }
0x14: {  	s12 =	sadd.s32 $0x63380, s0;
	s0 =	simm.s32 $0x6;
	[dreg:$0x9] =	wrdreg s26  }
0x15: {  	s24 =	simm.s32 $0x12C00;
	s25 =	simm.s32 $0x2;
	s26 =	simm.s32 $0x7  }
.LBB2_1:
0x16: {  	s5 =	rddreg [dreg:$0x3]  }
0x17: {  	[tilespmem:s2], [sflag:$0x9] =	stream.linear.gather [hbm4b:s5+s2], $0x6400, $0x38;
	[tilespmem:$0x1F400] =	vst v63  }
0x18: {  	_ =	swait.ge [sflag:s18], $0x6400  }
0x19: {  	[sflag:s18] =	ssyncset.done $0x0  }
0x1a: {  	[sflag:s18] =	ssyncadd.s32 $0xFFFF9C00  }
0x1b: {  	[tilespmem:s20], [sflag:$0x1] =	stream.indirect.gather [hbm4b:s3+s19], $0x80, s2, s19, $0xb8;
	[tilespmem:$0x1F400] =	vst v63  }
0x1c: {  	_ = 	snop  }
0x1d: {  	[tilespmem:s21], [sflag:$0x2] =	stream.indirect.gather [hbm4b:s3+s19], $0x80, s19, s19, $0xb8;
	[tilespmem:$0x1F400] =	vst v63  }
0x1e: {  	_ =	swait.ge [sflag:s22], $0x6400  }
0x1f: {  	[sflag:s22] =	ssyncset.done $0x0  }
0x20: {  	[sflag:s22] =	ssyncadd.s32 $0xFFFF9C00  }
0x21: {  	[hbm4b:s4+s2] =	stream.linear.scatter [tilespmem:s20], [sflag:$0x5], $0x6400, $0x38;
	[tilespmem:$0x1F400] =	vst v63  }
0x22: {  	s8 =	simm.s32 $0x190  }
0x23: {  	[tilespmem:s24], [sflag:$0x3] =	stream.indirect.gather [hbm4b:s3+s19], $0x80, s8, s19, $0xb8;
	[tilespmem:$0x1F400] =	vst v63  }
0x24: {  	_ =	swait.ge [sflag:s25], $0x6400  }
0x25: {  	[sflag:s25] =	ssyncset.done $0x0  }
0x26: {  	s9 =	rddreg [dreg:$0x4];
	[sflag:s25] =	ssyncadd.s32 $0xFFFF9C00  }
0x27: {  	[hbm4b:s9+s2] =	stream.linear.scatter [tilespmem:s21], [sflag:$0x6], $0x6400, $0x38;
	[tilespmem:$0x1F400] =	vst v63  }
0x28: {  	s10 =	simm.s32 $0x258  }
0x29: {  	[tilespmem:s28], [sflag:$0x4] =	stream.indirect.gather [hbm4b:s3+s19], $0x80, s10, s19, $0xb8;
	[tilespmem:$0x1F400] =	vst v63  }
0x2a: {  	_ =	swait.ge [sflag:s29], $0x6400  }
0x2b: {  	[sflag:s29] =	ssyncset.done $0x0  }
0x2c: {  	s11 =	rddreg [dreg:$0x5];
	[sflag:s29] =	ssyncadd.s32 $0xFFFF9C00  }
0x2d: {  	[hbm4b:s11+s2] =	stream.linear.scatter [tilespmem:s24], [sflag:$0x7], $0x6400, $0x38;
	[tilespmem:$0x1F400] =	vst v63  }
0x2e: {  	_ =	swait.ge [sflag:s30], $0x6400  }
0x2f: {  	[sflag:s30] =	ssyncset.done $0x0  }
0x30: {  	s6 =	simm.s32 $0x320;
	[sflag:s30] =	ssyncadd.s32 $0xFFFF9C00  }
0x31: {  	[tilespmem:s20], [sflag:$0x1] =	stream.indirect.gather [hbm4b:s3+s19], $0x80, s6, s19, $0xb8;
	[tilespmem:$0x1F400] =	vst v63  }
0x32: {  	_ =	swait.ge [sflag:s1], $0x6400  }
0x33: {  	[sflag:s1] =	ssyncset.done $0x0  }
0x34: {  	s7 =	rddreg [dreg:$0x6];
	[sflag:s1] =	ssyncadd.s32 $0xFFFF9C00  }
0x35: {  	[hbm4b:s7+s2] =	stream.linear.scatter [tilespmem:s28], [sflag:$0x8], $0x6400, $0x38;
	[tilespmem:$0x1F400] =	vst v63  }
0x36: {  	_ =	swait.ge [sflag:s0], $0x6400  }
0x37: {  	[sflag:s0] =	ssyncset.done $0x0  }
0x38: {  	s8 =	simm.s32 $0x3E8;
	[sflag:s0] =	ssyncadd.s32 $0xFFFF9C00  }
0x39: {  	[tilespmem:s21], [sflag:$0x2] =	stream.indirect.gather [hbm4b:s3+s19], $0x80, s8, s19, $0xb8;
	[tilespmem:$0x1F400] =	vst v63  }
0x3a: {  	_ =	swait.ge [sflag:s22], $0x6400  }
0x3b: {  	[sflag:s22] =	ssyncset.done $0x0  }
0x3c: {  	[sflag:s22] =	ssyncadd.s32 $0xFFFF9C00  }
0x3d: {  	[hbm4b:s17+s2] =	stream.linear.scatter [tilespmem:s20], [sflag:$0x5], $0x6400, $0x38;
	[tilespmem:$0x1F400] =	vst v63  }
0x3e: {  	_ =	swait.ge [sflag:s26], $0x6400  }
0x3f: {  	[sflag:s26] =	ssyncset.done $0x0  }
0x40: {  	s9 =	simm.s32 $0x4B0;
	[sflag:s26] =	ssyncadd.s32 $0xFFFF9C00  }
0x41: {  	[tilespmem:s24], [sflag:$0x3] =	stream.indirect.gather [hbm4b:s3+s19], $0x80, s9, s19, $0xb8;
	[tilespmem:$0x1F400] =	vst v63  }
0x42: {  	_ =	swait.ge [sflag:s25], $0x6400  }
0x43: {  	[sflag:s25] =	ssyncset.done $0x0  }
0x44: {  	[sflag:s25] =	ssyncadd.s32 $0xFFFF9C00  }
0x45: {  	[hbm4b:s14+s2] =	stream.linear.scatter [tilespmem:s21], [sflag:$0x6], $0x6400, $0x38;
	[tilespmem:$0x1F400] =	vst v63  }
0x46: {  	_ =	swait.ge [sflag:s31], $0x6400  }
0x47: {  	[sflag:s31] =	ssyncset.done $0x0  }
0x48: {  	s10 =	simm.s32 $0x578;
	[sflag:s31] =	ssyncadd.s32 $0xFFFF9C00  }
0x49: {  	[tilespmem:s28], [sflag:$0x4] =	stream.indirect.gather [hbm4b:s3+s19], $0x80, s10, s19, $0xb8;
	[tilespmem:$0x1F400] =	vst v63  }
0x4a: {  	_ =	swait.ge [sflag:s29], $0x6400  }
0x4b: {  	[sflag:s29] =	ssyncset.done $0x0  }
0x4c: {  	[sflag:s29] =	ssyncadd.s32 $0xFFFF9C00  }
0x4d: {  	[hbm4b:s16+s2] =	stream.linear.scatter [tilespmem:s24], [sflag:$0x7], $0x6400, $0x38;
	[tilespmem:$0x1F400] =	vst v63  }
0x4e: {  	_ =	swait.ge [sflag:s30], $0x6400  }
0x4f: {  	[sflag:s30] =	ssyncset.done $0x0  }
0x50: {  	s11 =	simm.s32 $0x640;
	[sflag:s30] =	ssyncadd.s32 $0xFFFF9C00  }
0x51: {  	[tilespmem:s20], [sflag:$0x1] =	stream.indirect.gather [hbm4b:s3+s19], $0x80, s11, s19, $0xb8;
	[tilespmem:$0x1F400] =	vst v63  }
0x52: {  	_ =	swait.ge [sflag:s1], $0x6400  }
0x53: {  	[sflag:s1] =	ssyncset.done $0x0  }
0x54: {  	[sflag:s1] =	ssyncadd.s32 $0xFFFF9C00  }
0x55: {  	[hbm4b:s15+s2] =	stream.linear.scatter [tilespmem:s28], [sflag:$0x8], $0x6400, $0x38;
	[tilespmem:$0x1F400] =	vst v63  }
0x56: {  	s5 =	simm.s32 $0xC80;
	s6 =	sadd.s32 $0x3200, s17;
	_ =	swait.ge [sflag:s0], $0x6400  }
0x57: {  	s7 =	sadd.s32 $0x3200, s15;
	s8 =	sadd.s32 $0x3200, s16;
	[sflag:s0] =	ssyncset.done $0x0  }
0x58: {  	s9 =	sadd.s32 $0x3200, s14;
	s10 =	simm.s32 $0x708;
	[sflag:s0] =	ssyncadd.s32 $0xFFFF9C00  }
.LBB2_2:
0x59: {  	[tilespmem:s21], [sflag:$0x2] =	stream.indirect.gather [hbm4b:s3+s19], $0x80, s10, s19, $0xb8;
	[tilespmem:$0x1F400] =	vst v63  }
0x5a: {  	s10 =	smov.u32 s5  }
0x5b: {  	p0 =	sne.s32 s5, $0x16A80;
	s5 =	sadd.s32 $0xC80, s5;
	_ =	swait.ge [sflag:s22], $0x6400  }
0x5c: {  	[sflag:s22] =	ssyncset.done $0x0  }
0x5d: {  	[sflag:s22] =	ssyncadd.s32 $0xFFFF9C00  }
0x5e: {  	[hbm4b:s6+s2] =	stream.linear.scatter [tilespmem:s20], [sflag:$0x5], $0x6400, $0x38;
	[tilespmem:$0x1F400] =	vst v63  }
0x5f: {  	_ =	swait.ge [sflag:s26], $0x6400  }
0x60: {  	s10 =	sshra.s32 s10, $0x2;
	[sflag:s26] =	ssyncset.done $0x0  }
0x61: {  	s11 =	sadd.s32 $0x4B0, s10;
	[sflag:s26] =	ssyncadd.s32 $0xFFFF9C00  }
0x62: {  	[tilespmem:s24], [sflag:$0x3] =	stream.indirect.gather [hbm4b:s3+s19], $0x80, s11, s19, $0xb8;
	[tilespmem:$0x1F400] =	vst v63  }
0x63: {  	_ =	swait.ge [sflag:s25], $0x6400  }
0x64: {  	[sflag:s25] =	ssyncset.done $0x0  }
0x65: {  	[sflag:s25] =	ssyncadd.s32 $0xFFFF9C00  }
0x66: {  	[hbm4b:s9+s2] =	stream.linear.scatter [tilespmem:s21], [sflag:$0x6], $0x6400, $0x38;
	[tilespmem:$0x1F400] =	vst v63  }
0x67: {  	_ =	swait.ge [sflag:s31], $0x6400  }
0x68: {  	[sflag:s31] =	ssyncset.done $0x0  }
0x69: {  	s11 =	sadd.s32 $0x578, s10;
	[sflag:s31] =	ssyncadd.s32 $0xFFFF9C00  }
0x6a: {  	[tilespmem:s28], [sflag:$0x4] =	stream.indirect.gather [hbm4b:s3+s19], $0x80, s11, s19, $0xb8;
	[tilespmem:$0x1F400] =	vst v63  }
0x6b: {  	_ =	swait.ge [sflag:s29], $0x6400  }
0x6c: {  	[sflag:s29] =	ssyncset.done $0x0  }
0x6d: {  	[sflag:s29] =	ssyncadd.s32 $0xFFFF9C00  }
0x6e: {  	[hbm4b:s8+s2] =	stream.linear.scatter [tilespmem:s24], [sflag:$0x7], $0x6400, $0x38;
	[tilespmem:$0x1F400] =	vst v63  }
0x6f: {  	_ =	swait.ge [sflag:s30], $0x6400  }
0x70: {  	[sflag:s30] =	ssyncset.done $0x0  }
0x71: {  	s11 =	sadd.s32 $0x640, s10;
	[sflag:s30] =	ssyncadd.s32 $0xFFFF9C00  }
0x72: {  	[tilespmem:s20], [sflag:$0x1] =	stream.indirect.gather [hbm4b:s3+s19], $0x80, s11, s19, $0xb8;
	[tilespmem:$0x1F400] =	vst v63  }
0x73: {  	_ =	swait.ge [sflag:s1], $0x6400  }
0x74: {  	[sflag:s1] =	ssyncset.done $0x0  }
.Ltmp0:
0x75: {  	[sflag:s1] =	ssyncadd.s32 $0xFFFF9C00;
	(pc) =	sbr.rel @p0 .LBB2_2-.Ltmp0, $4  }
0x76: {  	[hbm4b:s7+s2] =	stream.linear.scatter [tilespmem:s28], [sflag:$0x8], $0x6400, $0x38;
	[tilespmem:$0x1F400] =	vst v63  }
0x77: {  	s6 =	sadd.s32 $0x3200, s6;
	_ =	swait.ge [sflag:s0], $0x6400  }
0x78: {  	s8 =	sadd.s32 $0x3200, s8;
	s7 =	sadd.s32 $0x3200, s7;
	[sflag:s0] =	ssyncset.done $0x0  }
0x79: {  	s9 =	sadd.s32 $0x3200, s9;
	s10 =	sadd.s32 $0x708, s10;
	[sflag:s0] =	ssyncadd.s32 $0xFFFF9C00  }
0x7a: {  	[tilespmem:s21], [sflag:$0x2] =	stream.indirect.gather [hbm4b:s3+s19], $0x80, s10, s19, $0xb8;
	[tilespmem:$0x1F400] =	vst v63  }
0x7b: {  	_ =	swait.ge [sflag:s22], $0x6400  }
0x7c: {  	[sflag:s22] =	ssyncset.done $0x0  }
0x7d: {  	s5 =	rddreg [dreg:$0x7];
	[sflag:s22] =	ssyncadd.s32 $0xFFFF9C00  }
0x7e: {  	[hbm4b:s5+s2] =	stream.linear.scatter [tilespmem:s20], [sflag:$0x5], $0x6400, $0x38;
	[tilespmem:$0x1F400] =	vst v63  }
0x7f: {  	_ =	swait.ge [sflag:s26], $0x6400  }
0x80: {  	[sflag:s26] =	ssyncset.done $0x0  }
0x81: {  	s8 =	simm.s32 $0x6270;
	[sflag:s26] =	ssyncadd.s32 $0xFFFF9C00  }
0x82: {  	[tilespmem:s24], [sflag:$0x3] =	stream.indirect.gather [hbm4b:s3+s19], $0x80, s8, s19, $0xb8;
	[tilespmem:$0x1F400] =	vst v63  }
0x83: {  	_ =	swait.ge [sflag:s25], $0x6400  }
0x84: {  	[sflag:s25] =	ssyncset.done $0x0  }
0x85: {  	s9 =	rddreg [dreg:$0x8];
	[sflag:s25] =	ssyncadd.s32 $0xFFFF9C00  }
0x86: {  	[hbm4b:s9+s2] =	stream.linear.scatter [tilespmem:s21], [sflag:$0x6], $0x6400, $0x38;
	[tilespmem:$0x1F400] =	vst v63  }
0x87: {  	_ =	swait.ge [sflag:s31], $0x6400  }
0x88: {  	[sflag:s31] =	ssyncset.done $0x0  }
0x89: {  	s10 =	simm.s32 $0x6338;
	[sflag:s31] =	ssyncadd.s32 $0xFFFF9C00  }
0x8a: {  	[tilespmem:s28], [sflag:$0x4] =	stream.indirect.gather [hbm4b:s3+s19], $0x80, s10, s19, $0xb8;
	[tilespmem:$0x1F400] =	vst v63  }
0x8b: {  	_ =	swait.ge [sflag:s29], $0x6400  }
0x8c: {  	[sflag:s29] =	ssyncset.done $0x0  }
0x8d: {  	s11 =	rddreg [dreg:$0x9];
	[sflag:s29] =	ssyncadd.s32 $0xFFFF9C00  }
0x8e: {  	[hbm4b:s11+s2] =	stream.linear.scatter [tilespmem:s24], [sflag:$0x7], $0x6400, $0x38;
	[tilespmem:$0x1F400] =	vst v63  }
0x8f: {  	_ =	swait.ge [sflag:s1], $0x6400  }
0x90: {  	[sflag:s1] =	ssyncset.done $0x0  }
0x91: {  	[sflag:s1] =	ssyncadd.s32 $0xFFFF9C00  }
0x92: {  	[hbm4b:s12+s2] =	stream.linear.scatter [tilespmem:s28], [sflag:$0x8], $0x6400, $0x38;
	[tilespmem:$0x1F400] =	vst v63  }
0x93: {  	_ =	swait.ge [sflag:s30], $0x6400  }
0x94: {  	[sflag:s30] =	ssyncset.done $0x0  }
0x95: {  	[sflag:s30] =	ssyncadd.s32 $0xFFFF9C00  }
0x96: {  	_ =	swait.ge [sflag:s0], $0x6400  }
0x97: {  	[sflag:s0] =	ssyncset.done $0x0  }
0x98: {  	s23 =	sadd.s32 $0x1, s23;
	[sflag:s0] =	ssyncadd.s32 $0xFFFF9C00  }
0x99: {  	p0 =	sne.s32 s23, s13;
	_ =	swait.ge [sflag:s26], $0x6400  }
.Ltmp1:
0x9a: {  	[sflag:s26] =	ssyncset.done $0x0;
	(pc) =	sbr.rel @p0 .LBB2_1-.Ltmp1, $4  }
0x9b: {  	[sflag:s26] =	ssyncadd.s32 $0xFFFF9C00  }
0x9c: {  	_ =	swait.ge [sflag:s31], $0x6400  }
0x9d: {  	[sflag:s31] =	ssyncset.done $0x0  }
0x9e: {  	[sflag:s31] =	ssyncadd.s32 $0xFFFF9C00  }
0x9f: {  	_ =	sfence.sel $0x180000  }
0xa0: {  	[bflag:$0x0] =	sbarrier.arrive $0xFFFF  }
0xa1: {  	_ =	strace $0x90000047  }
0xa2: {  	s0 =	stileid.u32;
	[bflag:$0x2] =	sbarrier.arrive $0xFFFF  }
0xa3: {  	p0 =	sne.s32 s0, $0x0;
	s0 =	rddreg [dreg:$0x2]  }
0xa4: {  	s0 =	sadd.s32 @!p0 $0x100000, s0  }
0xa5: {  	[sflag:s0] =	ssyncadd.tile.s32 @!p0 $0x1;
	_ =	shalt  }
.Lfunc_end2:
_tile_overlayer_lowered:
.L_overlay_start_2:
0xa6: {  	(tag) =	ssettag $0x2  }
0xa7: {  	s0 =	rddreg [dreg:$0x0];
	s2 =	stileid.u32  }
0xa8: {  	s1 =	rddreg [dreg:$0x1];
	p0 =	sne.s32 s2, $0x0  }
0xa9: {  	s3 =	rddreg [dreg:$0x2];
	[bflag:$0x3] =	sbarrier.arrive $0xFFFF;
	s2 =	simm.s32 @!p0 $0x1C09  }
0xaa: {  	[timem:s3], [sflag:s2] =	dma.local @!p0 [hbm:s0], s1  }
0xab: {  	s0 =	simm.s32 @!p0 $0x9  }
0xac: {  	_ =	swait.ge @!p0 [sflag:s0], s1  }
0xad: {  	s1 =	ssub.s32 @!p0 $0x0, s1;
	[sflag:s0] =	ssyncset.done @!p0 $0x0  }
0xae: {  	[sflag:s0] =	ssyncadd.s32 @!p0 s1  }
0xaf: {  	[bflag:$0x3] =	sbarrier.arrive $0xFFFF  }
0xb0: {  	_ =	shalt  }

// kernel: sparse-core-data-format-call.cloned.1.call-start
scs
called_computation_lowered:
.L_overlay_start_0:
0x0: {  	s2 =	sld [smem:$0x3FD9]  }
0x1: {  	s3 =	sld [smem:$0x3FFE];
	_ =	sdelay $0x1  }
0x2: {  	s1 =	srdreg.scid  }
0x3: {  	s0 =	sand.u32 $0x1, s1  }
0x4: {  	s18 =	sshll.u32 s0, $0xA;
	s2 =	sadd.s32 s3, s2  }
0x5: {  	s2 =	sadd.s32 s2, s18  }
0x6: {  	[smem:$0x3FC6] =	sst s2  }
0x7: {  	_ = 	snop  }
0x8: {  	s2 =	sld [smem:$0x3FD0];
	(tm) =	ssettm $0x1  }
0x9: {  	s19 =	sld [smem:$0x3FFB];
	_ =	sdelay $0x3  }
0xa: {  	_ =	strace s19  }
0xb: {  	s3 =	sld [smem:$0x3FFC];
	_ =	sdelay $0x3  }
0xc: {  	_ =	strace s3  }
0xd: {  	s3 =	sld [smem:$0x3FFD];
	_ =	sdelay $0x3  }
0xe: {  	_ =	strace s3  }
0xf: {  	_ =	strace $0x8FFFFFFF  }
0x10: {  	s20 =	sld [smem:$0x3FDB];
	_ =	sdelay $0x1  }
0x11: {  	s4 =	simm.s32 $_scs_section_size  }
0x12: {  	s5 =	simm.s32 $_size__tile_overlayer_lowered;
	s6 =	simm.s32 $_tile_overlayer_lowered  }
0x13: {  	s23 =	simm.s32 $0x1BFF;
	s22 =	sshll.u32 s6, $0x1;
	s3 =	sadd.s32 s4, s20  }
0x14: {  	s7 =	simm.s32 $0x0;
	s21 =	sshll.u32 s5, $0x1;
	s5 =	sadd.s32 s22, s3  }
0x15: {  	[timem:s7], [sflag:s23] =	dma.local [hbm:s5], s21  }
0x16: {  	_ =	swait.ge [sflag:s23], s21  }
0x17: {  	s4 =	ssub.s32 $0x0, s21;
	[sflag:s23] =	ssyncset.done $0x0  }
0x18: {  	[sflag:s23] =	ssyncadd.s32 s4;
	_ =	sdelay $0x1  }
0x19: {  	s24 =	simm.s32 $0x1B8B  }
0x1a: {  	_ =	swait.ge [sflag:s24], $0x1  }
0x1b: {  	[sflag:s24] =	ssyncset.done $0x0  }
0x1c: {  	s26 =	simm.s32 $0x1B8E;
	s25 =	sld [smem:$0x3FFE];
	[sflag:s24] =	ssyncadd.s32 $0xFFFFFFFF  }
0x1d: {  	s27 =	simm.s32 $execute0_lowered;
	[smem:$0x3FD2] =	sst s26  }
0x1e: {  	s5 =	sshll.u32 s27, $0x1;
	_ =	strace $0x80000049;
	[dreg:$0x1] =	wrdreg $0xFFFFFFFF  }
0x1f: {  	s28 =	simm.s32 $_size_execute0_lowered;
	s3 =	sadd.s32 s3, s5;
	[dreg:$0x0] =	wrdreg $0x0  }
0x20: {  	s5 =	sshll.u32 s28, $0x1;
	[dreg:$0x2] =	wrdreg s3  }
0x21: {  	[dreg:$0x3] =	wrdreg s5  }
0x22: {  	[dreg:$0x4] =	wrdreg $0xC0  }
0x23: {  	_ =	task [dreg:s7], $0x5FFFF  }
0x24: {  	[dreg:$0x1] =	wrdreg $0xFFFFFFFF  }
0x25: {  	[dreg:$0x0] =	wrdreg $0x60  }
0x26: {  	[dreg:$0x2] =	wrdreg s25  }
0x27: {  	[dreg:$0x3] =	wrdreg s2  }
0x28: {  	[dreg:$0x4] =	wrdreg $0x9  }
0x29: {  	_ =	task.clear_ibuf [dreg:s7], $0x5FFFF;
	_ =	strace $0x90000049  }
0x2a: {  	s29 =	simm.s32 $0x9;
	_ =	strace $0x8000004B  }
0x2b: {  	_ =	swait.ge [sflag:s29], $0x1  }
0x2c: {  	[sflag:s29] =	ssyncadd.s32 $0xFFFFFFFF  }
0x2d: {  	_ =	strace $0x9000004B  }
0x2e: {  	_ =	sfence  }
0x2f: {  	s30 =	sld [smem:$0x0];
	_ =	sdelay $0x2  }
0x30: {  	s31 =	sshll.u32 s1, $0xD;
	s1 =	sshrl.u32 s1, $0x2  }
0x31: {  	s3 =	sand.u32 $0x4000, s31;
	s1 =	sadd.s32 s1, s30  }
0x32: {  	s0 =	sor.u32 s3, s0;
	s1 =	sshll.u32 s1, $0x11  }
0x33: {  	s0 =	sor.u32 s1, s0  }
0x34: {  	s0 =	sadd.s32 $0x8F2B, s0  }
0x35: {  	[sflag:s0] =	ssyncadd.remote.s32 $0x1  }
0x36: {  	_ =	sfence.sel $0xFFFF  }
0x37: {  	[dreg:$0x0] =	wrdreg $0xFFFFFFFF;
	(pc) =	sbr.abs _section_cstart, $3  }
0x38: {  	[dreg:$0x1] =	wrdreg $0xFFFFFFFF  }
0x39: {  	_ =	task.clear_ibuf [dreg:s7], $0x2FFFF;
	_ =	strace $0x9FFFFFFF  }
0x3a: {  	(tm) =	ssettm $0x7FFFFFFF  }
0x3b: {  	_ =	shalt  }
tec
execute0_lowered:
.L_overlay_start_1:
0x0: {  	(tag) =	ssettag $0x1  }
0x1: {  	s0 =	srdreg.scid  }
0x2: {  	s1 =	sshll.u32 s0, $0x4  }
0x3: {  	s0 =	stileid.u32;
	s1 =	sand.u32 $0x10, s1  }
0x4: {  	s1 =	sor.u32 s0, s1  }
0x5: {  	s6 =	rddreg [dreg:$0x0];
	s4 =	simm.s32 $0x1;
	s2 =	sshll.u32 s1, $0x7  }
0x6: {  	s7 =	simm.s32 $0x2;
	s12 =	simm.s32 $0x0;
	s1 =	ssub.s32 $0x1000, s2  }
0x7: {  	s8 =	simm.s32 $0x8000;
	s13 =	simm.s32 $0x0;
	s3 =	sand.u32 $0xF80, s1  }
0x8: {  	s9 =	simm.s32 $0x0;
	s5 =	sshrl.u32 s1, $0xC;
	p0 =	sne.s32 s3, $0x0  }
.Ltmp0:
0x9: {  	s1 =	rddreg [dreg:$0x2];
	s4 =	simm.s32 @!p0 $0x0;
	(pc) =	sbr.rel .LBB1_1-.Ltmp0, $4  }
0xa: {  	s11 =	simm.s32 $0x0;
	s3 =	rddreg [dreg:$0x1];
	s5 =	sadd.s32 s4, s5  }
0xb: {  	_ =	strace $0x8000004A;
	s4 =	simm.s32 $0x1;
	s5 =	smul.u32 $0xC8, s5  }
0xc: {  	s6 =	sadd.s32 $0xA00, s6;
	s10 =	smov.u32 s2;
	[sflag:s4] =	ssyncpa.u1 $0x0  }
0xd: {  	p0 =	por $0x0, $0x0;
	[sflag:s7] =	ssyncpa.u1 $0x0;
	s7 =	sor.u32 $0x1, s5  }
.LBB1_4:
0xe: {  	s16 =	sshll.u32 s13, $0x3;
	s17 =	sand.u32 $0x78, s13  }
0xf: {  	s30 =	sand.u32 $0x7E00, s13;
	s12 =	sshll.u32 s12, $0xF;
	s16 =	sand.u32 $0xC00, s16  }
0x10: {  	[tilespmem:s15+$0x810 ss:$0x81] =	vst.msk $0xffff, v2;
	s31 =	sand.u32 $0x7, s13;
	s16 =	sor.u32 s17, s16;
	s17 =	sadd.s32 s3, s30  }
0x11: {  	[tilespmem:s15+$0x1020 ss:$0x81] =	vst.msk $0xffff, v0;
	s13 =	sshll.u32 s31, $0x12;
	s12 =	sadd.s32 s12, s17;
	s16 =	sshrl.u32 s16, $0x3  }
0x12: {  	[tilespmem:s15+$0x0 ss:$0x81] =	vst.msk $0xffff, v1;
	s13 =	sor.u32 $0x400, s13;
	s12 =	sadd.s32 s16, s12  }
0x13: {  	[hbm4b:s12+s13] =	stream.strided.scatter [tilespmem:s14], [sflag:$0x2], $0x2000, s8, s13, $0x20;
	[tilespmem:$0x8080] =	vst v63  }
.LBB1_5:
0x14: {  	s14 =	sadd.s32 $0x1, s9  }
0x15: {  	s12 =	sadd.s32 $0x1000, s10;
	s16 =	smov.u32 s10;
	p2 =	sgt.s32 s14, $0xC7  }
0x16: {  	s16 =	smov.u32 @p2 s12  }
0x17: {  	s14 =	simm.s32 @p2 $0x0;
	p2 =	sgt.s32 s16, $0xFFF  }
0x18: {  	s16 =	smov.u32 @p2 s2;
	p2 =	sne.s32 s11, s7  }
.Ltmp1:
0x19: {  	p1 =	slt.u32 s11, $0x2;
	(pc) =	sbr.rel @!p2 .LBB1_6-.Ltmp1, $4  }
0x1a: {  	s15 =	simm.s32 @!p1 $0x2  }
0x1b: {  	s13 =	smov.u32 s10;
	p0 =	por !p0, !p0;
	_ =	swait.ge @!p1 [sflag:s15], $0x2000  }
0x1c: {  	s12 =	smov.u32 s9;
	[sflag:s15] =	ssyncset.done @!p1 $0x0;
	s9 =	smov.u32 s14  }
0x1d: {  	s11 =	sadd.s32 $0x1, s11;
	[sflag:s15] =	ssyncadd.s32 @!p1 $0xFFFFE000;
	s10 =	smov.u32 s16  }
.LBB1_1:
0x1e: {  	p1 =	sge.u32 s11, s5  }
0x1f: {  	s14 =	sand.u32 @!p1 $0x1FFFFFF, s9  }
0x20: {  	s15 =	smulhi.u32 @!p1 $0x147AE15, s14;
	_ =	sdelay $0x1  }
0x21: {  	s15 =	smul.u32 @!p1 $0xC8, s15  }
0x22: {  	s16 =	sxor.u32 @!p1 $0xFFFFFFFF, s11;
	s17 =	smul.u32 @!p1 $0xC80, s10  }
0x23: {  	s31 =	sadd.s32 $0xFFFFFFFF, s11;
	s16 =	sshll.u32 @!p1 s16, $0xD;
	s14 =	ssub.s32 @!p1 s14, s15  }
0x24: {  	s15 =	sand.u32 @!p1 $0x2000, s16;
	s16 =	sadd.s32 @!p1 s6, s17;
	s14 =	sshll.u32 @!p1 s14, $0x4  }
0x25: {  	s17 =	simm.s32 @!p1 $0x6400;
	s14 =	sadd.s32 @!p1 s14, s16;
	s16 =	simm.s32 @!p1 $0x40  }
0x26: {  	[tilespmem:s15], [sflag:$0x1] =	stream.strided.gather @!p1 [hbm4b:s14+s16], $0x2000, s17, s16, $0x38;
	[tilespmem:$0x8080] =	vst v63  }
0x27: {  	p1 =	sge.u32 s31, s5  }
.Ltmp2:
0x28: {  	_ = 	snop;
	(pc) =	sbr.rel @p1 .LBB1_5-.Ltmp2, $1  }
0x29: {  	_ =	sdelay $0x3  }
0x2a: {  	s14 =	simm.s32 $0x1  }
0x2b: {  	_ =	swait.ge [sflag:s4], $0x2000;
	s14 =	simm.s32 @!p0 $0x0  }
0x2c: {  	[sflag:s4] =	ssyncset.done $0x0;
	s15 =	sshll.u32 s14, $0xD  }
0x2d: {  	[sflag:s4] =	ssyncadd.s32 $0xFFFFE000;
	s18 =	sor.u32 $0x20, s15  }
0x2e: {  	s14 =	smul.u32 $0x8100, s14;
	v3 =	vld [tilespmem:s18+$0x10]  }
0x2f: {  	s30 =	sand.u32 $0x1, s11;
	v2 =	vld [tilespmem:s18+$0xFFFFFFF0]  }
0x30: {  	s15 =	smul.u32 $0x8100, s30;
	s14 =	sshrl.u32 s14, $0x2;
	v0 =	vld [tilespmem:s18+$0x0]  }
0x31: {  	v1 =	vld [tilespmem:s18+$0xFFFFFFE0];
	s16 =	sor.u32 $0x4000, s14  }
0x32: {  	s31 =	sshrl.u32 s15, $0x2;
	s15 =	sadd.s32 $0x0, s16  }
0x33: {  	s17 =	simm.s32 $0x4;
	s18 =	sadd.s32 $0x40, s18;
	s14 =	sor.u32 $0x4000, s31;
	[tilespmem:s15+$0x1830 ss:$0x81] =	vst.msk $0xffff, v3  }
.LBB1_3:
0x34: {  	v3 =	vld [tilespmem:s18+$0x10];
	p1 =	sne.s32 s17, $0x1FC;
	[tilespmem:s15+$0x810 ss:$0x81] =	vst.msk $0xffff, v2;
	s19 =	smov.u32 s17;
	s17 =	sadd.s32 $0x4, s17  }
.Ltmp3:
0x35: {  	v2 =	vld [tilespmem:s18+$0xFFFFFFF0];
	[tilespmem:s15+$0x1020 ss:$0x81] =	vst.msk $0xffff, v0;
	(pc) =	sbr.rel @p1 .LBB1_3-.Ltmp3, $4  }
0x36: {  	v0 =	vld [tilespmem:s18+$0x0];
	[tilespmem:s15+$0x0 ss:$0x81] =	vst.msk $0xffff, v1  }
0x37: {  	s15 =	sshra.s32 s19, $0x2;
	v1 =	vld [tilespmem:s18+$0xFFFFFFE0]  }
0x38: {  	s15 =	sadd.s32 s15, s16  }
0x39: {  	s18 =	sadd.s32 $0x40, s18;
	[tilespmem:s15+$0x1830 ss:$0x81] =	vst.msk $0xffff, v3  }
.Ltmp4:
0x3a: {  	_ = 	snop;
	(pc) =	sbr.rel .LBB1_4-.Ltmp4, $1  }
0x3b: {  	_ =	sdelay $0x3  }
.LBB1_6:
0x3c: {  	_ =	sfence.sel $0x180000  }
0x3d: {  	s2 =	simm.s32 $0x1;
	[bflag:$0x0] =	sbarrier.arrive $0xFFFF  }
0x3e: {  	s31 =	simm.s32 $0x2;
	[sflag:s2] =	ssyncpa.u1 $0x1  }
0x3f: {  	[sflag:s31] =	ssyncpa.u1 $0x1  }
0x40: {  	p0 =	sne.s32 s0, $0x0;
	_ =	strace $0x9000004A  }
0x41: {  	s0 =	sadd.s32 @!p0 $0x100000, s1;
	[bflag:$0x2] =	sbarrier.arrive $0xFFFF  }
0x42: {  	[sflag:s0] =	ssyncadd.tile.s32 @!p0 $0x1;
	_ =	shalt  }
.Lfunc_end1:
_tile_overlayer_lowered:
.L_overlay_start_2:
0x43: {  	(tag) =	ssettag $0x2  }
0x44: {  	s0 =	rddreg [dreg:$0x0];
	s2 =	stileid.u32  }
0x45: {  	s1 =	rddreg [dreg:$0x1];
	p0 =	sne.s32 s2, $0x0  }
0x46: {  	s3 =	rddreg [dreg:$0x2];
	[bflag:$0x3] =	sbarrier.arrive $0xFFFF;
	s2 =	simm.s32 @!p0 $0x1C01  }
0x47: {  	[timem:s3], [sflag:s2] =	dma.local @!p0 [hbm:s0], s1  }
0x48: {  	s0 =	simm.s32 @!p0 $0x1  }
0x49: {  	_ =	swait.ge @!p0 [sflag:s0], s1  }
0x4a: {  	s1 =	ssub.s32 @!p0 $0x0, s1;
	[sflag:s0] =	ssyncset.done @!p0 $0x0  }
0x4b: {  	[sflag:s0] =	ssyncadd.s32 @!p0 s1  }
0x4c: {  	[bflag:$0x3] =	sbarrier.arrive $0xFFFF  }
0x4d: {  	_ =	shalt  }

</sc_bundles>
